<compile_context>
chip_gen: v7x
topology: tpu7x:2x2x1
jax: 0.10.2.dev20260603
libtpu: 0.0.44.dev20260713+nightly
codegen_flags: <defaults>
</compile_context>

<pallas_src>
import functools

import jax
import jax.numpy as jnp
from jax import lax
from jax.experimental import pallas as pl
from jax.experimental.pallas import tpu as pltpu
from jax.experimental.pallas import tpu_sc as plsc

NUM_TABLES = 26
VOCAB_SZ = 100000
BATCH_SZ = 16384

NUM_CORES = 2
NUM_SUBCORES = 16
LANES = 16

CHUNK = 4096
NCHUNK = BATCH_SZ // CHUNK


def _emb_body(tables_hbm, idx_hbm, out_hbm,
              table_v, ibuf0, ibuf1, obuf0, obuf1, sem_t, sem_i, sem_o):
    wid = lax.axis_index("s") * NUM_CORES + lax.axis_index("c")

    @pl.when(wid < NUM_TABLES)
    def _():
        ibufs = (ibuf0, ibuf1)
        obufs = (obuf0, obuf1)
        tdesc = pltpu.async_copy(tables_hbm.at[wid], table_v, sem_t)
        descs_i = [
            pltpu.async_copy(
                idx_hbm.at[wid, pl.ds(q * CHUNK, CHUNK)], ibufs[q], sem_i)
            for q in range(2)
        ]
        tdesc.wait()
        descs_o = []
        for q in range(NCHUNK):
            ib, ob = ibufs[q % 2], obufs[q % 2]
            descs_i[q].wait()
            if q >= 2:
                descs_o[q - 2].wait()

            @pl.loop(0, CHUNK // LANES, unroll=8)
            def _gather(i):
                sl = pl.ds(i * LANES, LANES)
                ob[sl] = plsc.load_gather(table_v, [ib[sl]])

            descs_o.append(pltpu.async_copy(
                ob, out_hbm.at[wid, pl.ds(q * CHUNK, CHUNK)], sem_o))
            if q + 2 < NCHUNK:
                descs_i.append(pltpu.async_copy(
                    idx_hbm.at[wid, pl.ds((q + 2) * CHUNK, CHUNK)],
                    ib, sem_i))
        descs_o[NCHUNK - 2].wait()
        descs_o[NCHUNK - 1].wait()


@functools.partial(
    pl.kernel,
    out_type=jax.ShapeDtypeStruct((NUM_TABLES, BATCH_SZ), jnp.float32),
    mesh=plsc.VectorSubcoreMesh(core_axis_name="c", subcore_axis_name="s"),
    scratch_types=[
        pltpu.VMEM((VOCAB_SZ,), jnp.float32),
        pltpu.VMEM((CHUNK,), jnp.int32),
        pltpu.VMEM((CHUNK,), jnp.int32),
        pltpu.VMEM((CHUNK,), jnp.float32),
        pltpu.VMEM((CHUNK,), jnp.float32),
        pltpu.SemaphoreType.DMA,
        pltpu.SemaphoreType.DMA,
        pltpu.SemaphoreType.DMA,
    ],
    compiler_params=pltpu.CompilerParams(needs_layout_passes=False),
)
def _emb_kernel(tables_hbm, idx_hbm, out_hbm, *scratch):
    _emb_body(tables_hbm, idx_hbm, out_hbm, *scratch)


def kernel(categorical_tensor, tables):
    idx_t = categorical_tensor.astype(jnp.int32).T
    out_t = _emb_kernel(tables.reshape(NUM_TABLES, VOCAB_SZ), idx_t)
    return out_t.T

# --- scband reference (transcript-rebuilt; emitter-appended) ---
"""Pipeline reference for scband-embedding-generator-2559800509196 (READ-ONLY COPY).

The authoritative reference and input builder live on the scoring server;
editing this copy changes nothing except your own understanding.
"""

import jax, jax.numpy as jnp
import numpy as np

NUM_CAT = 26
VOCAB = 100000
BATCH = 16384


def setup_inputs(seed: int = 0) -> dict:
    key = jax.random.key(seed)
    k1, k2 = jax.random.split(key)
    categorical_tensor = jax.random.randint(k1, (BATCH, NUM_CAT), 0, VOCAB)
    # 26 embedding tables, each [VOCAB, 1]; all vocabs equal so stack into one array
    tables = jax.random.normal(k2, (NUM_CAT, VOCAB, 1), dtype=jnp.float32)
    return {"categorical_tensor": categorical_tensor, "tables": tables}


def reference(categorical_tensor, tables):
    # Faithful translation: per-position embedding lookup (embedding_dim=1), concat along dim=1
    outs = [jnp.take(tables[position], categorical_tensor[:, position], axis=0) for position in range(NUM_CAT)]
    post_embedding_output = jnp.concatenate(outs, axis=1)
    return post_embedding_output

if __name__ == "__main__":
    import jax
    _d = setup_inputs()
    print(jax.jit(kernel)(*tuple(_d.values())))

</pallas_src>

<mosaic_0001>
#map = affine_map<(d0, d1) -> (0, 0)>
module attributes {stable_mosaic.version = 14 : i64} {
  func.func @_emb_kernel(%arg0: i32, %arg1: i32, %arg2: memref<26x100000xf32, #tpu.memory_space<hbm>>, %arg3: memref<26x16384xi32, #tpu.memory_space<hbm>>, %arg4: memref<26x16384xf32, #tpu.memory_space<hbm>>, %arg5: memref<100000xf32, #tpu.memory_space<vmem>>, %arg6: memref<4096xi32, #tpu.memory_space<vmem>>, %arg7: memref<4096xi32, #tpu.memory_space<vmem>>, %arg8: memref<4096xf32, #tpu.memory_space<vmem>>, %arg9: memref<4096xf32, #tpu.memory_space<vmem>>, %arg10: memref<!tpu.dma_semaphore, #tpu.memory_space<semaphore_mem>>, %arg11: memref<!tpu.dma_semaphore, #tpu.memory_space<semaphore_mem>>, %arg12: memref<!tpu.dma_semaphore, #tpu.memory_space<semaphore_mem>>) attributes {dimension_semantics = [#tpu.dimension_semantics<core_parallel>, #tpu.dimension_semantics<subcore_parallel>], iteration_bounds = array<i64: 2, 16>, scalar_prefetch = 0 : i64, scratch_operands = 8 : i64, tpu.core_type = #tpu.core_type<sc_vector_subcore>, window_params = [{transform_indices = #map}, {transform_indices = #map}, {transform_indices = #map}]} {
    %mul3A = arith.constant 2 : i32
    %mul3A_0 = arith.muli %arg1, %mul3A : i32
    %add3A = arith.addi %mul3A_0, %arg0 : i32
    %lt3A = arith.constant 26 : i32
    %lt3A_1 = arith.cmpi slt, %add3A, %lt3A : i32
    %convert_element_type3A = arith.extui %lt3A_1 : i1 to i32
    %cond3A = arith.constant 0 : i32
    %cond3A_2 = arith.cmpi ne, %convert_element_type3A, %cond3A : i32
    scf.if %cond3A_2 {
      %dma_start3A = arith.constant 0 : i32
      %dma_start3A_3 = tpu.memref_slice %arg2[%add3A, %dma_start3A] : memref<26x100000xf32, #tpu.memory_space<hbm>> -> memref<1x100000xf32, #tpu.memory_space<hbm>>
      %dma_start3A_4 = tpu.memref_squeeze %dma_start3A_3 : memref<1x100000xf32, #tpu.memory_space<hbm>> -> memref<100000xf32, #tpu.memory_space<hbm>>
      %dma_start3A_5 = arith.constant 0 : i32
      %dma_start3A_6 = tpu.memref_slice %arg2[%add3A, %dma_start3A_5] : memref<26x100000xf32, #tpu.memory_space<hbm>> -> memref<1x100000xf32, #tpu.memory_space<hbm>>
      %dma_start3A_7 = tpu.memref_squeeze %dma_start3A_6 : memref<1x100000xf32, #tpu.memory_space<hbm>> -> memref<100000xf32, #tpu.memory_space<hbm>>
      tpu.enqueue_dma source(%dma_start3A_7 : memref<100000xf32, #tpu.memory_space<hbm>>) target(%arg5 : memref<100000xf32, #tpu.memory_space<vmem>>) target_semaphore(%arg10 : memref<!tpu.dma_semaphore, #tpu.memory_space<semaphore_mem>>)
      %dma_start3A_8 = arith.constant 0 : i32
      %dma_start3A_9 = tpu.memref_slice %arg3[%add3A, %dma_start3A_8] : memref<26x16384xi32, #tpu.memory_space<hbm>> -> memref<1x4096xi32, #tpu.memory_space<hbm>>
      %dma_start3A_10 = tpu.memref_squeeze %dma_start3A_9 : memref<1x4096xi32, #tpu.memory_space<hbm>> -> memref<4096xi32, #tpu.memory_space<hbm>>
      %dma_start3A_11 = arith.constant 0 : i32
      %dma_start3A_12 = tpu.memref_slice %arg3[%add3A, %dma_start3A_11] : memref<26x16384xi32, #tpu.memory_space<hbm>> -> memref<1x4096xi32, #tpu.memory_space<hbm>>
      %dma_start3A_13 = tpu.memref_squeeze %dma_start3A_12 : memref<1x4096xi32, #tpu.memory_space<hbm>> -> memref<4096xi32, #tpu.memory_space<hbm>>
      tpu.enqueue_dma source(%dma_start3A_13 : memref<4096xi32, #tpu.memory_space<hbm>>) target(%arg6 : memref<4096xi32, #tpu.memory_space<vmem>>) target_semaphore(%arg11 : memref<!tpu.dma_semaphore, #tpu.memory_space<semaphore_mem>>)
      %dma_start3A_14 = arith.constant 4096 : i32
      %dma_start3A_15 = tpu.memref_slice %arg3[%add3A, %dma_start3A_14] : memref<26x16384xi32, #tpu.memory_space<hbm>> -> memref<1x4096xi32, #tpu.memory_space<hbm>>
      %dma_start3A_16 = tpu.memref_squeeze %dma_start3A_15 : memref<1x4096xi32, #tpu.memory_space<hbm>> -> memref<4096xi32, #tpu.memory_space<hbm>>
      %dma_start3A_17 = arith.constant 4096 : i32
      %dma_start3A_18 = tpu.memref_slice %arg3[%add3A, %dma_start3A_17] : memref<26x16384xi32, #tpu.memory_space<hbm>> -> memref<1x4096xi32, #tpu.memory_space<hbm>>
      %dma_start3A_19 = tpu.memref_squeeze %dma_start3A_18 : memref<1x4096xi32, #tpu.memory_space<hbm>> -> memref<4096xi32, #tpu.memory_space<hbm>>
      tpu.enqueue_dma source(%dma_start3A_19 : memref<4096xi32, #tpu.memory_space<hbm>>) target(%arg7 : memref<4096xi32, #tpu.memory_space<vmem>>) target_semaphore(%arg11 : memref<!tpu.dma_semaphore, #tpu.memory_space<semaphore_mem>>)
      %dma_wait3A = arith.constant 0 : i32
      %dma_wait3A_20 = tpu.memref_slice %arg2[%add3A, %dma_wait3A] : memref<26x100000xf32, #tpu.memory_space<hbm>> -> memref<1x100000xf32, #tpu.memory_space<hbm>>
      %dma_wait3A_21 = tpu.memref_squeeze %dma_wait3A_20 : memref<1x100000xf32, #tpu.memory_space<hbm>> -> memref<100000xf32, #tpu.memory_space<hbm>>
      %dma_wait3A_22 = arith.constant 0 : i32
      %dma_wait3A_23 = tpu.memref_slice %arg2[%add3A, %dma_wait3A_22] : memref<26x100000xf32, #tpu.memory_space<hbm>> -> memref<1x100000xf32, #tpu.memory_space<hbm>>
      %dma_wait3A_24 = tpu.memref_squeeze %dma_wait3A_23 : memref<1x100000xf32, #tpu.memory_space<hbm>> -> memref<100000xf32, #tpu.memory_space<hbm>>
      tpu.wait_dma2 semaphore(%arg10 : memref<!tpu.dma_semaphore, #tpu.memory_space<semaphore_mem>>) src(%dma_wait3A_24 : memref<100000xf32, #tpu.memory_space<hbm>>) dst(%arg5 : memref<100000xf32, #tpu.memory_space<vmem>>)
      %dma_wait3A_25 = arith.constant 0 : i32
      %dma_wait3A_26 = tpu.memref_slice %arg3[%add3A, %dma_wait3A_25] : memref<26x16384xi32, #tpu.memory_space<hbm>> -> memref<1x4096xi32, #tpu.memory_space<hbm>>
      %dma_wait3A_27 = tpu.memref_squeeze %dma_wait3A_26 : memref<1x4096xi32, #tpu.memory_space<hbm>> -> memref<4096xi32, #tpu.memory_space<hbm>>
      %dma_wait3A_28 = arith.constant 0 : i32
      %dma_wait3A_29 = tpu.memref_slice %arg3[%add3A, %dma_wait3A_28] : memref<26x16384xi32, #tpu.memory_space<hbm>> -> memref<1x4096xi32, #tpu.memory_space<hbm>>
      %dma_wait3A_30 = tpu.memref_squeeze %dma_wait3A_29 : memref<1x4096xi32, #tpu.memory_space<hbm>> -> memref<4096xi32, #tpu.memory_space<hbm>>
      tpu.wait_dma2 semaphore(%arg11 : memref<!tpu.dma_semaphore, #tpu.memory_space<semaphore_mem>>) src(%dma_wait3A_30 : memref<4096xi32, #tpu.memory_space<hbm>>) dst(%arg6 : memref<4096xi32, #tpu.memory_space<vmem>>)
      %scan3A = arith.constant 0 : i32
      %scan3A_31 = arith.constant 256 : i32
      %scan3A_32 = arith.addi %scan3A, %scan3A_31 : i32
      %scan3A_33 = arith.constant 8 : i32
      scf.for %scan3A_128 = %scan3A to %scan3A_32 step %scan3A_33  : i32 {
        %mul3A_129 = arith.constant 1 : i32
        %mul3A_130 = arith.muli %scan3A_128, %mul3A_129 : i32
        %add3A_131 = arith.constant 0 : i32
        %add3A_132 = arith.addi %add3A_131, %mul3A_130 : i32
        %mul3A_133 = arith.constant 16 : i32
        %mul3A_134 = arith.muli %add3A_132, %mul3A_133 : i32
        %get3A = arith.index_cast %mul3A_134 : i32 to index
        %get3A_135 = tpu.vector_load %arg6[%get3A] {strides = array<i32>} : memref<4096xi32, #tpu.memory_space<vmem>>, vector<16xi32>,
        %gather3A = tpu.vector_load_idx %arg5[%get3A_135] : memref<100000xf32, #tpu.memory_space<vmem>>[vector<16xi32>], vector<16xf32>,
        %swap3A = arith.index_cast %mul3A_134 : i32 to index
        %swap3A_136 = tpu.vector_load %arg8[%swap3A] {strides = array<i32>} : memref<4096xf32, #tpu.memory_space<vmem>>, vector<16xf32>,
        tpu.vector_store %arg8[%swap3A], %gather3A {strides = array<i32>} : memref<4096xf32, #tpu.memory_space<vmem>>, vector<16xf32>,
        %scan3A_137 = arith.constant 1 : i32
        %scan3A_138 = arith.addi %scan3A_128, %scan3A_137 : i32
        %mul3A_139 = arith.constant 1 : i32
        %mul3A_140 = arith.muli %scan3A_138, %mul3A_139 : i32
        %add3A_141 = arith.constant 0 : i32
        %add3A_142 = arith.addi %add3A_141, %mul3A_140 : i32
        %mul3A_143 = arith.constant 16 : i32
        %mul3A_144 = arith.muli %add3A_142, %mul3A_143 : i32
        %get3A_145 = arith.index_cast %mul3A_144 : i32 to index
        %get3A_146 = tpu.vector_load %arg6[%get3A_145] {strides = array<i32>} : memref<4096xi32, #tpu.memory_space<vmem>>, vector<16xi32>,
        %gather3A_147 = tpu.vector_load_idx %arg5[%get3A_146] : memref<100000xf32, #tpu.memory_space<vmem>>[vector<16xi32>], vector<16xf32>,
        %swap3A_148 = arith.index_cast %mul3A_144 : i32 to index
        %swap3A_149 = tpu.vector_load %arg8[%swap3A_148] {strides = array<i32>} : memref<4096xf32, #tpu.memory_space<vmem>>, vector<16xf32>,
        tpu.vector_store %arg8[%swap3A_148], %gather3A_147 {strides = array<i32>} : memref<4096xf32, #tpu.memory_space<vmem>>, vector<16xf32>,
        %scan3A_150 = arith.constant 2 : i32
        %scan3A_151 = arith.addi %scan3A_128, %scan3A_150 : i32
        %mul3A_152 = arith.constant 1 : i32
        %mul3A_153 = arith.muli %scan3A_151, %mul3A_152 : i32
        %add3A_154 = arith.constant 0 : i32
        %add3A_155 = arith.addi %add3A_154, %mul3A_153 : i32
        %mul3A_156 = arith.constant 16 : i32
        %mul3A_157 = arith.muli %add3A_155, %mul3A_156 : i32
        %get3A_158 = arith.index_cast %mul3A_157 : i32 to index
        %get3A_159 = tpu.vector_load %arg6[%get3A_158] {strides = array<i32>} : memref<4096xi32, #tpu.memory_space<vmem>>, vector<16xi32>,
        %gather3A_160 = tpu.vector_load_idx %arg5[%get3A_159] : memref<100000xf32, #tpu.memory_space<vmem>>[vector<16xi32>], vector<16xf32>,
        %swap3A_161 = arith.index_cast %mul3A_157 : i32 to index
        %swap3A_162 = tpu.vector_load %arg8[%swap3A_161] {strides = array<i32>} : memref<4096xf32, #tpu.memory_space<vmem>>, vector<16xf32>,
        tpu.vector_store %arg8[%swap3A_161], %gather3A_160 {strides = array<i32>} : memref<4096xf32, #tpu.memory_space<vmem>>, vector<16xf32>,
        %scan3A_163 = arith.constant 3 : i32
        %scan3A_164 = arith.addi %scan3A_128, %scan3A_163 : i32
        %mul3A_165 = arith.constant 1 : i32
        %mul3A_166 = arith.muli %scan3A_164, %mul3A_165 : i32
        %add3A_167 = arith.constant 0 : i32
        %add3A_168 = arith.addi %add3A_167, %mul3A_166 : i32
        %mul3A_169 = arith.constant 16 : i32
        %mul3A_170 = arith.muli %add3A_168, %mul3A_169 : i32
        %get3A_171 = arith.index_cast %mul3A_170 : i32 to index
        %get3A_172 = tpu.vector_load %arg6[%get3A_171] {strides = array<i32>} : memref<4096xi32, #tpu.memory_space<vmem>>, vector<16xi32>,
        %gather3A_173 = tpu.vector_load_idx %arg5[%get3A_172] : memref<100000xf32, #tpu.memory_space<vmem>>[vector<16xi32>], vector<16xf32>,
        %swap3A_174 = arith.index_cast %mul3A_170 : i32 to index
        %swap3A_175 = tpu.vector_load %arg8[%swap3A_174] {strides = array<i32>} : memref<4096xf32, #tpu.memory_space<vmem>>, vector<16xf32>,
        tpu.vector_store %arg8[%swap3A_174], %gather3A_173 {strides = array<i32>} : memref<4096xf32, #tpu.memory_space<vmem>>, vector<16xf32>,
        %scan3A_176 = arith.constant 4 : i32
        %scan3A_177 = arith.addi %scan3A_128, %scan3A_176 : i32
        %mul3A_178 = arith.constant 1 : i32
        %mul3A_179 = arith.muli %scan3A_177, %mul3A_178 : i32
        %add3A_180 = arith.constant 0 : i32
        %add3A_181 = arith.addi %add3A_180, %mul3A_179 : i32
        %mul3A_182 = arith.constant 16 : i32
        %mul3A_183 = arith.muli %add3A_181, %mul3A_182 : i32
        %get3A_184 = arith.index_cast %mul3A_183 : i32 to index
        %get3A_185 = tpu.vector_load %arg6[%get3A_184] {strides = array<i32>} : memref<4096xi32, #tpu.memory_space<vmem>>, vector<16xi32>,
        %gather3A_186 = tpu.vector_load_idx %arg5[%get3A_185] : memref<100000xf32, #tpu.memory_space<vmem>>[vector<16xi32>], vector<16xf32>,
        %swap3A_187 = arith.index_cast %mul3A_183 : i32 to index
        %swap3A_188 = tpu.vector_load %arg8[%swap3A_187] {strides = array<i32>} : memref<4096xf32, #tpu.memory_space<vmem>>, vector<16xf32>,
        tpu.vector_store %arg8[%swap3A_187], %gather3A_186 {strides = array<i32>} : memref<4096xf32, #tpu.memory_space<vmem>>, vector<16xf32>,
        %scan3A_189 = arith.constant 5 : i32
        %scan3A_190 = arith.addi %scan3A_128, %scan3A_189 : i32
        %mul3A_191 = arith.constant 1 : i32
        %mul3A_192 = arith.muli %scan3A_190, %mul3A_191 : i32
        %add3A_193 = arith.constant 0 : i32
        %add3A_194 = arith.addi %add3A_193, %mul3A_192 : i32
        %mul3A_195 = arith.constant 16 : i32
        %mul3A_196 = arith.muli %add3A_194, %mul3A_195 : i32
        %get3A_197 = arith.index_cast %mul3A_196 : i32 to index
        %get3A_198 = tpu.vector_load %arg6[%get3A_197] {strides = array<i32>} : memref<4096xi32, #tpu.memory_space<vmem>>, vector<16xi32>,
        %gather3A_199 = tpu.vector_load_idx %arg5[%get3A_198] : memref<100000xf32, #tpu.memory_space<vmem>>[vector<16xi32>], vector<16xf32>,
        %swap3A_200 = arith.index_cast %mul3A_196 : i32 to index
        %swap3A_201 = tpu.vector_load %arg8[%swap3A_200] {strides = array<i32>} : memref<4096xf32, #tpu.memory_space<vmem>>, vector<16xf32>,
        tpu.vector_store %arg8[%swap3A_200], %gather3A_199 {strides = array<i32>} : memref<4096xf32, #tpu.memory_space<vmem>>, vector<16xf32>,
        %scan3A_202 = arith.constant 6 : i32
        %scan3A_203 = arith.addi %scan3A_128, %scan3A_202 : i32
        %mul3A_204 = arith.constant 1 : i32
        %mul3A_205 = arith.muli %scan3A_203, %mul3A_204 : i32
        %add3A_206 = arith.constant 0 : i32
        %add3A_207 = arith.addi %add3A_206, %mul3A_205 : i32
        %mul3A_208 = arith.constant 16 : i32
        %mul3A_209 = arith.muli %add3A_207, %mul3A_208 : i32
        %get3A_210 = arith.index_cast %mul3A_209 : i32 to index
        %get3A_211 = tpu.vector_load %arg6[%get3A_210] {strides = array<i32>} : memref<4096xi32, #tpu.memory_space<vmem>>, vector<16xi32>,
        %gather3A_212 = tpu.vector_load_idx %arg5[%get3A_211] : memref<100000xf32, #tpu.memory_space<vmem>>[vector<16xi32>], vector<16xf32>,
        %swap3A_213 = arith.index_cast %mul3A_209 : i32 to index
        %swap3A_214 = tpu.vector_load %arg8[%swap3A_213] {strides = array<i32>} : memref<4096xf32, #tpu.memory_space<vmem>>, vector<16xf32>,
        tpu.vector_store %arg8[%swap3A_213], %gather3A_212 {strides = array<i32>} : memref<4096xf32, #tpu.memory_space<vmem>>, vector<16xf32>,
        %scan3A_215 = arith.constant 7 : i32
        %scan3A_216 = arith.addi %scan3A_128, %scan3A_215 : i32
        %mul3A_217 = arith.constant 1 : i32
        %mul3A_218 = arith.muli %scan3A_216, %mul3A_217 : i32
        %add3A_219 = arith.constant 0 : i32
        %add3A_220 = arith.addi %add3A_219, %mul3A_218 : i32
        %mul3A_221 = arith.constant 16 : i32
        %mul3A_222 = arith.muli %add3A_220, %mul3A_221 : i32
        %get3A_223 = arith.index_cast %mul3A_222 : i32 to index
        %get3A_224 = tpu.vector_load %arg6[%get3A_223] {strides = array<i32>} : memref<4096xi32, #tpu.memory_space<vmem>>, vector<16xi32>,
        %gather3A_225 = tpu.vector_load_idx %arg5[%get3A_224] : memref<100000xf32, #tpu.memory_space<vmem>>[vector<16xi32>], vector<16xf32>,
        %swap3A_226 = arith.index_cast %mul3A_222 : i32 to index
        %swap3A_227 = tpu.vector_load %arg8[%swap3A_226] {strides = array<i32>} : memref<4096xf32, #tpu.memory_space<vmem>>, vector<16xf32>,
        tpu.vector_store %arg8[%swap3A_226], %gather3A_225 {strides = array<i32>} : memref<4096xf32, #tpu.memory_space<vmem>>, vector<16xf32>,
      }
      %scan3A_34 = arith.constant 256 : i32
      %dma_start3A_35 = arith.constant 0 : i32
      %dma_start3A_36 = tpu.memref_slice %arg4[%add3A, %dma_start3A_35] : memref<26x16384xf32, #tpu.memory_space<hbm>> -> memref<1x4096xf32, #tpu.memory_space<hbm>>
      %dma_start3A_37 = tpu.memref_squeeze %dma_start3A_36 : memref<1x4096xf32, #tpu.memory_space<hbm>> -> memref<4096xf32, #tpu.memory_space<hbm>>
      %dma_start3A_38 = arith.constant 0 : i32
      %dma_start3A_39 = tpu.memref_slice %arg4[%add3A, %dma_start3A_38] : memref<26x16384xf32, #tpu.memory_space<hbm>> -> memref<1x4096xf32, #tpu.memory_space<hbm>>
      %dma_start3A_40 = tpu.memref_squeeze %dma_start3A_39 : memref<1x4096xf32, #tpu.memory_space<hbm>> -> memref<4096xf32, #tpu.memory_space<hbm>>
      tpu.enqueue_dma source(%arg8 : memref<4096xf32, #tpu.memory_space<vmem>>) target(%dma_start3A_40 : memref<4096xf32, #tpu.memory_space<hbm>>) target_semaphore(%arg12 : memref<!tpu.dma_semaphore, #tpu.memory_space<semaphore_mem>>)
      %dma_start3A_41 = arith.constant 8192 : i32
      %dma_start3A_42 = tpu.memref_slice %arg3[%add3A, %dma_start3A_41] : memref<26x16384xi32, #tpu.memory_space<hbm>> -> memref<1x4096xi32, #tpu.memory_space<hbm>>
      %dma_start3A_43 = tpu.memref_squeeze %dma_start3A_42 : memref<1x4096xi32, #tpu.memory_space<hbm>> -> memref<4096xi32, #tpu.memory_space<hbm>>
      %dma_start3A_44 = arith.constant 8192 : i32
      %dma_start3A_45 = tpu.memref_slice %arg3[%add3A, %dma_start3A_44] : memref<26x16384xi32, #tpu.memory_space<hbm>> -> memref<1x4096xi32, #tpu.memory_space<hbm>>
      %dma_start3A_46 = tpu.memref_squeeze %dma_start3A_45 : memref<1x4096xi32, #tpu.memory_space<hbm>> -> memref<4096xi32, #tpu.memory_space<hbm>>
      tpu.enqueue_dma source(%dma_start3A_46 : memref<4096xi32, #tpu.memory_space<hbm>>) target(%arg6 : memref<4096xi32, #tpu.memory_space<vmem>>) target_semaphore(%arg11 : memref<!tpu.dma_semaphore, #tpu.memory_space<semaphore_mem>>)
      %dma_wait3A_47 = arith.constant 4096 : i32
      %dma_wait3A_48 = tpu.memref_slice %arg3[%add3A, %dma_wait3A_47] : memref<26x16384xi32, #tpu.memory_space<hbm>> -> memref<1x4096xi32, #tpu.memory_space<hbm>>
      %dma_wait3A_49 = tpu.memref_squeeze %dma_wait3A_48 : memref<1x4096xi32, #tpu.memory_space<hbm>> -> memref<4096xi32, #tpu.memory_space<hbm>>
      %dma_wait3A_50 = arith.constant 4096 : i32
      %dma_wait3A_51 = tpu.memref_slice %arg3[%add3A, %dma_wait3A_50] : memref<26x16384xi32, #tpu.memory_space<hbm>> -> memref<1x4096xi32, #tpu.memory_space<hbm>>
      %dma_wait3A_52 = tpu.memref_squeeze %dma_wait3A_51 : memref<1x4096xi32, #tpu.memory_space<hbm>> -> memref<4096xi32, #tpu.memory_space<hbm>>
      tpu.wait_dma2 semaphore(%arg11 : memref<!tpu.dma_semaphore, #tpu.memory_space<semaphore_mem>>) src(%dma_wait3A_52 : memref<4096xi32, #tpu.memory_space<hbm>>) dst(%arg7 : memref<4096xi32, #tpu.memory_space<vmem>>)
      %scan3A_53 = arith.constant 0 : i32
      %scan3A_54 = arith.constant 256 : i32
      %scan3A_55 = arith.addi %scan3A_53, %scan3A_54 : i32
      %scan3A_56 = arith.constant 8 : i32
      scf.for %scan3A_128 = %scan3A_53 to %scan3A_55 step %scan3A_56  : i32 {
        %mul3A_129 = arith.constant 1 : i32
        %mul3A_130 = arith.muli %scan3A_128, %mul3A_129 : i32
        %add3A_131 = arith.constant 0 : i32
        %add3A_132 = arith.addi %add3A_131, %mul3A_130 : i32
        %mul3A_133 = arith.constant 16 : i32
        %mul3A_134 = arith.muli %add3A_132, %mul3A_133 : i32
        %get3A = arith.index_cast %mul3A_134 : i32 to index
        %get3A_135 = tpu.vector_load %arg7[%get3A] {strides = array<i32>} : memref<4096xi32, #tpu.memory_space<vmem>>, vector<16xi32>,
        %gather3A = tpu.vector_load_idx %arg5[%get3A_135] : memref<100000xf32, #tpu.memory_space<vmem>>[vector<16xi32>], vector<16xf32>,
        %swap3A = arith.index_cast %mul3A_134 : i32 to index
        %swap3A_136 = tpu.vector_load %arg9[%swap3A] {strides = array<i32>} : memref<4096xf32, #tpu.memory_space<vmem>>, vector<16xf32>,
        tpu.vector_store %arg9[%swap3A], %gather3A {strides = array<i32>} : memref<4096xf32, #tpu.memory_space<vmem>>, vector<16xf32>,
        %scan3A_137 = arith.constant 1 : i32
        %scan3A_138 = arith.addi %scan3A_128, %scan3A_137 : i32
        %mul3A_139 = arith.constant 1 : i32
        %mul3A_140 = arith.muli %scan3A_138, %mul3A_139 : i32
        %add3A_141 = arith.constant 0 : i32
        %add3A_142 = arith.addi %add3A_141, %mul3A_140 : i32
        %mul3A_143 = arith.constant 16 : i32
        %mul3A_144 = arith.muli %add3A_142, %mul3A_143 : i32
        %get3A_145 = arith.index_cast %mul3A_144 : i32 to index
        %get3A_146 = tpu.vector_load %arg7[%get3A_145] {strides = array<i32>} : memref<4096xi32, #tpu.memory_space<vmem>>, vector<16xi32>,
        %gather3A_147 = tpu.vector_load_idx %arg5[%get3A_146] : memref<100000xf32, #tpu.memory_space<vmem>>[vector<16xi32>], vector<16xf32>,
        %swap3A_148 = arith.index_cast %mul3A_144 : i32 to index
        %swap3A_149 = tpu.vector_load %arg9[%swap3A_148] {strides = array<i32>} : memref<4096xf32, #tpu.memory_space<vmem>>, vector<16xf32>,
        tpu.vector_store %arg9[%swap3A_148], %gather3A_147 {strides = array<i32>} : memref<4096xf32, #tpu.memory_space<vmem>>, vector<16xf32>,
        %scan3A_150 = arith.constant 2 : i32
        %scan3A_151 = arith.addi %scan3A_128, %scan3A_150 : i32
        %mul3A_152 = arith.constant 1 : i32
        %mul3A_153 = arith.muli %scan3A_151, %mul3A_152 : i32
        %add3A_154 = arith.constant 0 : i32
        %add3A_155 = arith.addi %add3A_154, %mul3A_153 : i32
        %mul3A_156 = arith.constant 16 : i32
        %mul3A_157 = arith.muli %add3A_155, %mul3A_156 : i32
        %get3A_158 = arith.index_cast %mul3A_157 : i32 to index
        %get3A_159 = tpu.vector_load %arg7[%get3A_158] {strides = array<i32>} : memref<4096xi32, #tpu.memory_space<vmem>>, vector<16xi32>,
        %gather3A_160 = tpu.vector_load_idx %arg5[%get3A_159] : memref<100000xf32, #tpu.memory_space<vmem>>[vector<16xi32>], vector<16xf32>,
        %swap3A_161 = arith.index_cast %mul3A_157 : i32 to index
        %swap3A_162 = tpu.vector_load %arg9[%swap3A_161] {strides = array<i32>} : memref<4096xf32, #tpu.memory_space<vmem>>, vector<16xf32>,
        tpu.vector_store %arg9[%swap3A_161], %gather3A_160 {strides = array<i32>} : memref<4096xf32, #tpu.memory_space<vmem>>, vector<16xf32>,
        %scan3A_163 = arith.constant 3 : i32
        %scan3A_164 = arith.addi %scan3A_128, %scan3A_163 : i32
        %mul3A_165 = arith.constant 1 : i32
        %mul3A_166 = arith.muli %scan3A_164, %mul3A_165 : i32
        %add3A_167 = arith.constant 0 : i32
        %add3A_168 = arith.addi %add3A_167, %mul3A_166 : i32
        %mul3A_169 = arith.constant 16 : i32
        %mul3A_170 = arith.muli %add3A_168, %mul3A_169 : i32
        %get3A_171 = arith.index_cast %mul3A_170 : i32 to index
        %get3A_172 = tpu.vector_load %arg7[%get3A_171] {strides = array<i32>} : memref<4096xi32, #tpu.memory_space<vmem>>, vector<16xi32>,
        %gather3A_173 = tpu.vector_load_idx %arg5[%get3A_172] : memref<100000xf32, #tpu.memory_space<vmem>>[vector<16xi32>], vector<16xf32>,
        %swap3A_174 = arith.index_cast %mul3A_170 : i32 to index
        %swap3A_175 = tpu.vector_load %arg9[%swap3A_174] {strides = array<i32>} : memref<4096xf32, #tpu.memory_space<vmem>>, vector<16xf32>,
        tpu.vector_store %arg9[%swap3A_174], %gather3A_173 {strides = array<i32>} : memref<4096xf32, #tpu.memory_space<vmem>>, vector<16xf32>,
        %scan3A_176 = arith.constant 4 : i32
        %scan3A_177 = arith.addi %scan3A_128, %scan3A_176 : i32
        %mul3A_178 = arith.constant 1 : i32
        %mul3A_179 = arith.muli %scan3A_177, %mul3A_178 : i32
        %add3A_180 = arith.constant 0 : i32
        %add3A_181 = arith.addi %add3A_180, %mul3A_179 : i32
        %mul3A_182 = arith.constant 16 : i32
        %mul3A_183 = arith.muli %add3A_181, %mul3A_182 : i32
        %get3A_184 = arith.index_cast %mul3A_183 : i32 to index
        %get3A_185 = tpu.vector_load %arg7[%get3A_184] {strides = array<i32>} : memref<4096xi32, #tpu.memory_space<vmem>>, vector<16xi32>,
        %gather3A_186 = tpu.vector_load_idx %arg5[%get3A_185] : memref<100000xf32, #tpu.memory_space<vmem>>[vector<16xi32>], vector<16xf32>,
        %swap3A_187 = arith.index_cast %mul3A_183 : i32 to index
        %swap3A_188 = tpu.vector_load %arg9[%swap3A_187] {strides = array<i32>} : memref<4096xf32, #tpu.memory_space<vmem>>, vector<16xf32>,
        tpu.vector_store %arg9[%swap3A_187], %gather3A_186 {strides = array<i32>} : memref<4096xf32, #tpu.memory_space<vmem>>, vector<16xf32>,
        %scan3A_189 = arith.constant 5 : i32
        %scan3A_190 = arith.addi %scan3A_128, %scan3A_189 : i32
        %mul3A_191 = arith.constant 1 : i32
        %mul3A_192 = arith.muli %scan3A_190, %mul3A_191 : i32
        %add3A_193 = arith.constant 0 : i32
        %add3A_194 = arith.addi %add3A_193, %mul3A_192 : i32
        %mul3A_195 = arith.constant 16 : i32
        %mul3A_196 = arith.muli %add3A_194, %mul3A_195 : i32
        %get3A_197 = arith.index_cast %mul3A_196 : i32 to index
        %get3A_198 = tpu.vector_load %arg7[%get3A_197] {strides = array<i32>} : memref<4096xi32, #tpu.memory_space<vmem>>, vector<16xi32>,
        %gather3A_199 = tpu.vector_load_idx %arg5[%get3A_198] : memref<100000xf32, #tpu.memory_space<vmem>>[vector<16xi32>], vector<16xf32>,
        %swap3A_200 = arith.index_cast %mul3A_196 : i32 to index
        %swap3A_201 = tpu.vector_load %arg9[%swap3A_200] {strides = array<i32>} : memref<4096xf32, #tpu.memory_space<vmem>>, vector<16xf32>,
        tpu.vector_store %arg9[%swap3A_200], %gather3A_199 {strides = array<i32>} : memref<4096xf32, #tpu.memory_space<vmem>>, vector<16xf32>,
        %scan3A_202 = arith.constant 6 : i32
        %scan3A_203 = arith.addi %scan3A_128, %scan3A_202 : i32
        %mul3A_204 = arith.constant 1 : i32
        %mul3A_205 = arith.muli %scan3A_203, %mul3A_204 : i32
        %add3A_206 = arith.constant 0 : i32
        %add3A_207 = arith.addi %add3A_206, %mul3A_205 : i32
        %mul3A_208 = arith.constant 16 : i32
        %mul3A_209 = arith.muli %add3A_207, %mul3A_208 : i32
        %get3A_210 = arith.index_cast %mul3A_209 : i32 to index
        %get3A_211 = tpu.vector_load %arg7[%get3A_210] {strides = array<i32>} : memref<4096xi32, #tpu.memory_space<vmem>>, vector<16xi32>,
        %gather3A_212 = tpu.vector_load_idx %arg5[%get3A_211] : memref<100000xf32, #tpu.memory_space<vmem>>[vector<16xi32>], vector<16xf32>,
        %swap3A_213 = arith.index_cast %mul3A_209 : i32 to index
        %swap3A_214 = tpu.vector_load %arg9[%swap3A_213] {strides = array<i32>} : memref<4096xf32, #tpu.memory_space<vmem>>, vector<16xf32>,
        tpu.vector_store %arg9[%swap3A_213], %gather3A_212 {strides = array<i32>} : memref<4096xf32, #tpu.memory_space<vmem>>, vector<16xf32>,
        %scan3A_215 = arith.constant 7 : i32
        %scan3A_216 = arith.addi %scan3A_128, %scan3A_215 : i32
        %mul3A_217 = arith.constant 1 : i32
        %mul3A_218 = arith.muli %scan3A_216, %mul3A_217 : i32
        %add3A_219 = arith.constant 0 : i32
        %add3A_220 = arith.addi %add3A_219, %mul3A_218 : i32
        %mul3A_221 = arith.constant 16 : i32
        %mul3A_222 = arith.muli %add3A_220, %mul3A_221 : i32
        %get3A_223 = arith.index_cast %mul3A_222 : i32 to index
        %get3A_224 = tpu.vector_load %arg7[%get3A_223] {strides = array<i32>} : memref<4096xi32, #tpu.memory_space<vmem>>, vector<16xi32>,
        %gather3A_225 = tpu.vector_load_idx %arg5[%get3A_224] : memref<100000xf32, #tpu.memory_space<vmem>>[vector<16xi32>], vector<16xf32>,
        %swap3A_226 = arith.index_cast %mul3A_222 : i32 to index
        %swap3A_227 = tpu.vector_load %arg9[%swap3A_226] {strides = array<i32>} : memref<4096xf32, #tpu.memory_space<vmem>>, vector<16xf32>,
        tpu.vector_store %arg9[%swap3A_226], %gather3A_225 {strides = array<i32>} : memref<4096xf32, #tpu.memory_space<vmem>>, vector<16xf32>,
      }
      %scan3A_57 = arith.constant 256 : i32
      %dma_start3A_58 = arith.constant 4096 : i32
      %dma_start3A_59 = tpu.memref_slice %arg4[%add3A, %dma_start3A_58] : memref<26x16384xf32, #tpu.memory_space<hbm>> -> memref<1x4096xf32, #tpu.memory_space<hbm>>
      %dma_start3A_60 = tpu.memref_squeeze %dma_start3A_59 : memref<1x4096xf32, #tpu.memory_space<hbm>> -> memref<4096xf32, #tpu.memory_space<hbm>>
      %dma_start3A_61 = arith.constant 4096 : i32
      %dma_start3A_62 = tpu.memref_slice %arg4[%add3A, %dma_start3A_61] : memref<26x16384xf32, #tpu.memory_space<hbm>> -> memref<1x4096xf32, #tpu.memory_space<hbm>>
      %dma_start3A_63 = tpu.memref_squeeze %dma_start3A_62 : memref<1x4096xf32, #tpu.memory_space<hbm>> -> memref<4096xf32, #tpu.memory_space<hbm>>
      tpu.enqueue_dma source(%arg9 : memref<4096xf32, #tpu.memory_space<vmem>>) target(%dma_start3A_63 : memref<4096xf32, #tpu.memory_space<hbm>>) target_semaphore(%arg12 : memref<!tpu.dma_semaphore, #tpu.memory_space<semaphore_mem>>)
      %dma_start3A_64 = arith.constant 12288 : i32
      %dma_start3A_65 = tpu.memref_slice %arg3[%add3A, %dma_start3A_64] : memref<26x16384xi32, #tpu.memory_space<hbm>> -> memref<1x4096xi32, #tpu.memory_space<hbm>>
      %dma_start3A_66 = tpu.memref_squeeze %dma_start3A_65 : memref<1x4096xi32, #tpu.memory_space<hbm>> -> memref<4096xi32, #tpu.memory_space<hbm>>
      %dma_start3A_67 = arith.constant 12288 : i32
      %dma_start3A_68 = tpu.memref_slice %arg3[%add3A, %dma_start3A_67] : memref<26x16384xi32, #tpu.memory_space<hbm>> -> memref<1x4096xi32, #tpu.memory_space<hbm>>
      %dma_start3A_69 = tpu.memref_squeeze %dma_start3A_68 : memref<1x4096xi32, #tpu.memory_space<hbm>> -> memref<4096xi32, #tpu.memory_space<hbm>>
      tpu.enqueue_dma source(%dma_start3A_69 : memref<4096xi32, #tpu.memory_space<hbm>>) target(%arg7 : memref<4096xi32, #tpu.memory_space<vmem>>) target_semaphore(%arg11 : memref<!tpu.dma_semaphore, #tpu.memory_space<semaphore_mem>>)
      %dma_wait3A_70 = arith.constant 8192 : i32
      %dma_wait3A_71 = tpu.memref_slice %arg3[%add3A, %dma_wait3A_70] : memref<26x16384xi32, #tpu.memory_space<hbm>> -> memref<1x4096xi32, #tpu.memory_space<hbm>>
      %dma_wait3A_72 = tpu.memref_squeeze %dma_wait3A_71 : memref<1x4096xi32, #tpu.memory_space<hbm>> -> memref<4096xi32, #tpu.memory_space<hbm>>
      %dma_wait3A_73 = arith.constant 8192 : i32
      %dma_wait3A_74 = tpu.memref_slice %arg3[%add3A, %dma_wait3A_73] : memref<26x16384xi32, #tpu.memory_space<hbm>> -> memref<1x4096xi32, #tpu.memory_space<hbm>>
      %dma_wait3A_75 = tpu.memref_squeeze %dma_wait3A_74 : memref<1x4096xi32, #tpu.memory_space<hbm>> -> memref<4096xi32, #tpu.memory_space<hbm>>
      tpu.wait_dma2 semaphore(%arg11 : memref<!tpu.dma_semaphore, #tpu.memory_space<semaphore_mem>>) src(%dma_wait3A_75 : memref<4096xi32, #tpu.memory_space<hbm>>) dst(%arg6 : memref<4096xi32, #tpu.memory_space<vmem>>)
      %dma_wait3A_76 = arith.constant 0 : i32
      %dma_wait3A_77 = tpu.memref_slice %arg4[%add3A, %dma_wait3A_76] : memref<26x16384xf32, #tpu.memory_space<hbm>> -> memref<1x4096xf32, #tpu.memory_space<hbm>>
      %dma_wait3A_78 = tpu.memref_squeeze %dma_wait3A_77 : memref<1x4096xf32, #tpu.memory_space<hbm>> -> memref<4096xf32, #tpu.memory_space<hbm>>
      %dma_wait3A_79 = arith.constant 0 : i32
      %dma_wait3A_80 = tpu.memref_slice %arg4[%add3A, %dma_wait3A_79] : memref<26x16384xf32, #tpu.memory_space<hbm>> -> memref<1x4096xf32, #tpu.memory_space<hbm>>
      %dma_wait3A_81 = tpu.memref_squeeze %dma_wait3A_80 : memref<1x4096xf32, #tpu.memory_space<hbm>> -> memref<4096xf32, #tpu.memory_space<hbm>>
      tpu.wait_dma2 semaphore(%arg12 : memref<!tpu.dma_semaphore, #tpu.memory_space<semaphore_mem>>) src(%arg8 : memref<4096xf32, #tpu.memory_space<vmem>>) dst(%dma_wait3A_81 : memref<4096xf32, #tpu.memory_space<hbm>>)
      %scan3A_82 = arith.constant 0 : i32
      %scan3A_83 = arith.constant 256 : i32
      %scan3A_84 = arith.addi %scan3A_82, %scan3A_83 : i32
      %scan3A_85 = arith.constant 8 : i32
      scf.for %scan3A_128 = %scan3A_82 to %scan3A_84 step %scan3A_85  : i32 {
        %mul3A_129 = arith.constant 1 : i32
        %mul3A_130 = arith.muli %scan3A_128, %mul3A_129 : i32
        %add3A_131 = arith.constant 0 : i32
        %add3A_132 = arith.addi %add3A_131, %mul3A_130 : i32
        %mul3A_133 = arith.constant 16 : i32
        %mul3A_134 = arith.muli %add3A_132, %mul3A_133 : i32
        %get3A = arith.index_cast %mul3A_134 : i32 to index
        %get3A_135 = tpu.vector_load %arg6[%get3A] {strides = array<i32>} : memref<4096xi32, #tpu.memory_space<vmem>>, vector<16xi32>,
        %gather3A = tpu.vector_load_idx %arg5[%get3A_135] : memref<100000xf32, #tpu.memory_space<vmem>>[vector<16xi32>], vector<16xf32>,
        %swap3A = arith.index_cast %mul3A_134 : i32 to index
        %swap3A_136 = tpu.vector_load %arg8[%swap3A] {strides = array<i32>} : memref<4096xf32, #tpu.memory_space<vmem>>, vector<16xf32>,
        tpu.vector_store %arg8[%swap3A], %gather3A {strides = array<i32>} : memref<4096xf32, #tpu.memory_space<vmem>>, vector<16xf32>,
        %scan3A_137 = arith.constant 1 : i32
        %scan3A_138 = arith.addi %scan3A_128, %scan3A_137 : i32
        %mul3A_139 = arith.constant 1 : i32
        %mul3A_140 = arith.muli %scan3A_138, %mul3A_139 : i32
        %add3A_141 = arith.constant 0 : i32
        %add3A_142 = arith.addi %add3A_141, %mul3A_140 : i32
        %mul3A_143 = arith.constant 16 : i32
        %mul3A_144 = arith.muli %add3A_142, %mul3A_143 : i32
        %get3A_145 = arith.index_cast %mul3A_144 : i32 to index
        %get3A_146 = tpu.vector_load %arg6[%get3A_145] {strides = array<i32>} : memref<4096xi32, #tpu.memory_space<vmem>>, vector<16xi32>,
        %gather3A_147 = tpu.vector_load_idx %arg5[%get3A_146] : memref<100000xf32, #tpu.memory_space<vmem>>[vector<16xi32>], vector<16xf32>,
        %swap3A_148 = arith.index_cast %mul3A_144 : i32 to index
        %swap3A_149 = tpu.vector_load %arg8[%swap3A_148] {strides = array<i32>} : memref<4096xf32, #tpu.memory_space<vmem>>, vector<16xf32>,
        tpu.vector_store %arg8[%swap3A_148], %gather3A_147 {strides = array<i32>} : memref<4096xf32, #tpu.memory_space<vmem>>, vector<16xf32>,
        %scan3A_150 = arith.constant 2 : i32
        %scan3A_151 = arith.addi %scan3A_128, %scan3A_150 : i32
        %mul3A_152 = arith.constant 1 : i32
        %mul3A_153 = arith.muli %scan3A_151, %mul3A_152 : i32
        %add3A_154 = arith.constant 0 : i32
        %add3A_155 = arith.addi %add3A_154, %mul3A_153 : i32
        %mul3A_156 = arith.constant 16 : i32
        %mul3A_157 = arith.muli %add3A_155, %mul3A_156 : i32
        %get3A_158 = arith.index_cast %mul3A_157 : i32 to index
        %get3A_159 = tpu.vector_load %arg6[%get3A_158] {strides = array<i32>} : memref<4096xi32, #tpu.memory_space<vmem>>, vector<16xi32>,
        %gather3A_160 = tpu.vector_load_idx %arg5[%get3A_159] : memref<100000xf32, #tpu.memory_space<vmem>>[vector<16xi32>], vector<16xf32>,
        %swap3A_161 = arith.index_cast %mul3A_157 : i32 to index
        %swap3A_162 = tpu.vector_load %arg8[%swap3A_161] {strides = array<i32>} : memref<4096xf32, #tpu.memory_space<vmem>>, vector<16xf32>,
        tpu.vector_store %arg8[%swap3A_161], %gather3A_160 {strides = array<i32>} : memref<4096xf32, #tpu.memory_space<vmem>>, vector<16xf32>,
        %scan3A_163 = arith.constant 3 : i32
        %scan3A_164 = arith.addi %scan3A_128, %scan3A_163 : i32
        %mul3A_165 = arith.constant 1 : i32
        %mul3A_166 = arith.muli %scan3A_164, %mul3A_165 : i32
        %add3A_167 = arith.constant 0 : i32
        %add3A_168 = arith.addi %add3A_167, %mul3A_166 : i32
        %mul3A_169 = arith.constant 16 : i32
        %mul3A_170 = arith.muli %add3A_168, %mul3A_169 : i32
        %get3A_171 = arith.index_cast %mul3A_170 : i32 to index
        %get3A_172 = tpu.vector_load %arg6[%get3A_171] {strides = array<i32>} : memref<4096xi32, #tpu.memory_space<vmem>>, vector<16xi32>,
        %gather3A_173 = tpu.vector_load_idx %arg5[%get3A_172] : memref<100000xf32, #tpu.memory_space<vmem>>[vector<16xi32>], vector<16xf32>,
        %swap3A_174 = arith.index_cast %mul3A_170 : i32 to index
        %swap3A_175 = tpu.vector_load %arg8[%swap3A_174] {strides = array<i32>} : memref<4096xf32, #tpu.memory_space<vmem>>, vector<16xf32>,
        tpu.vector_store %arg8[%swap3A_174], %gather3A_173 {strides = array<i32>} : memref<4096xf32, #tpu.memory_space<vmem>>, vector<16xf32>,
        %scan3A_176 = arith.constant 4 : i32
        %scan3A_177 = arith.addi %scan3A_128, %scan3A_176 : i32
        %mul3A_178 = arith.constant 1 : i32
        %mul3A_179 = arith.muli %scan3A_177, %mul3A_178 : i32
        %add3A_180 = arith.constant 0 : i32
        %add3A_181 = arith.addi %add3A_180, %mul3A_179 : i32
        %mul3A_182 = arith.constant 16 : i32
        %mul3A_183 = arith.muli %add3A_181, %mul3A_182 : i32
        %get3A_184 = arith.index_cast %mul3A_183 : i32 to index
        %get3A_185 = tpu.vector_load %arg6[%get3A_184] {strides = array<i32>} : memref<4096xi32, #tpu.memory_space<vmem>>, vector<16xi32>,
        %gather3A_186 = tpu.vector_load_idx %arg5[%get3A_185] : memref<100000xf32, #tpu.memory_space<vmem>>[vector<16xi32>], vector<16xf32>,
        %swap3A_187 = arith.index_cast %mul3A_183 : i32 to index
        %swap3A_188 = tpu.vector_load %arg8[%swap3A_187] {strides = array<i32>} : memref<4096xf32, #tpu.memory_space<vmem>>, vector<16xf32>,
        tpu.vector_store %arg8[%swap3A_187], %gather3A_186 {strides = array<i32>} : memref<4096xf32, #tpu.memory_space<vmem>>, vector<16xf32>,
        %scan3A_189 = arith.constant 5 : i32
        %scan3A_190 = arith.addi %scan3A_128, %scan3A_189 : i32
        %mul3A_191 = arith.constant 1 : i32
        %mul3A_192 = arith.muli %scan3A_190, %mul3A_191 : i32
        %add3A_193 = arith.constant 0 : i32
        %add3A_194 = arith.addi %add3A_193, %mul3A_192 : i32
        %mul3A_195 = arith.constant 16 : i32
        %mul3A_196 = arith.muli %add3A_194, %mul3A_195 : i32
        %get3A_197 = arith.index_cast %mul3A_196 : i32 to index
        %get3A_198 = tpu.vector_load %arg6[%get3A_197] {strides = array<i32>} : memref<4096xi32, #tpu.memory_space<vmem>>, vector<16xi32>,
        %gather3A_199 = tpu.vector_load_idx %arg5[%get3A_198] : memref<100000xf32, #tpu.memory_space<vmem>>[vector<16xi32>], vector<16xf32>,
        %swap3A_200 = arith.index_cast %mul3A_196 : i32 to index
        %swap3A_201 = tpu.vector_load %arg8[%swap3A_200] {strides = array<i32>} : memref<4096xf32, #tpu.memory_space<vmem>>, vector<16xf32>,
        tpu.vector_store %arg8[%swap3A_200], %gather3A_199 {strides = array<i32>} : memref<4096xf32, #tpu.memory_space<vmem>>, vector<16xf32>,
        %scan3A_202 = arith.constant 6 : i32
        %scan3A_203 = arith.addi %scan3A_128, %scan3A_202 : i32
        %mul3A_204 = arith.constant 1 : i32
        %mul3A_205 = arith.muli %scan3A_203, %mul3A_204 : i32
        %add3A_206 = arith.constant 0 : i32
        %add3A_207 = arith.addi %add3A_206, %mul3A_205 : i32
        %mul3A_208 = arith.constant 16 : i32
        %mul3A_209 = arith.muli %add3A_207, %mul3A_208 : i32
        %get3A_210 = arith.index_cast %mul3A_209 : i32 to index
        %get3A_211 = tpu.vector_load %arg6[%get3A_210] {strides = array<i32>} : memref<4096xi32, #tpu.memory_space<vmem>>, vector<16xi32>,
        %gather3A_212 = tpu.vector_load_idx %arg5[%get3A_211] : memref<100000xf32, #tpu.memory_space<vmem>>[vector<16xi32>], vector<16xf32>,
        %swap3A_213 = arith.index_cast %mul3A_209 : i32 to index
        %swap3A_214 = tpu.vector_load %arg8[%swap3A_213] {strides = array<i32>} : memref<4096xf32, #tpu.memory_space<vmem>>, vector<16xf32>,
        tpu.vector_store %arg8[%swap3A_213], %gather3A_212 {strides = array<i32>} : memref<4096xf32, #tpu.memory_space<vmem>>, vector<16xf32>,
        %scan3A_215 = arith.constant 7 : i32
        %scan3A_216 = arith.addi %scan3A_128, %scan3A_215 : i32
        %mul3A_217 = arith.constant 1 : i32
        %mul3A_218 = arith.muli %scan3A_216, %mul3A_217 : i32
        %add3A_219 = arith.constant 0 : i32
        %add3A_220 = arith.addi %add3A_219, %mul3A_218 : i32
        %mul3A_221 = arith.constant 16 : i32
        %mul3A_222 = arith.muli %add3A_220, %mul3A_221 : i32
        %get3A_223 = arith.index_cast %mul3A_222 : i32 to index
        %get3A_224 = tpu.vector_load %arg6[%get3A_223] {strides = array<i32>} : memref<4096xi32, #tpu.memory_space<vmem>>, vector<16xi32>,
        %gather3A_225 = tpu.vector_load_idx %arg5[%get3A_224] : memref<100000xf32, #tpu.memory_space<vmem>>[vector<16xi32>], vector<16xf32>,
        %swap3A_226 = arith.index_cast %mul3A_222 : i32 to index
        %swap3A_227 = tpu.vector_load %arg8[%swap3A_226] {strides = array<i32>} : memref<4096xf32, #tpu.memory_space<vmem>>, vector<16xf32>,
        tpu.vector_store %arg8[%swap3A_226], %gather3A_225 {strides = array<i32>} : memref<4096xf32, #tpu.memory_space<vmem>>, vector<16xf32>,
      }
      %scan3A_86 = arith.constant 256 : i32
      %dma_start3A_87 = arith.constant 8192 : i32
      %dma_start3A_88 = tpu.memref_slice %arg4[%add3A, %dma_start3A_87] : memref<26x16384xf32, #tpu.memory_space<hbm>> -> memref<1x4096xf32, #tpu.memory_space<hbm>>
      %dma_start3A_89 = tpu.memref_squeeze %dma_start3A_88 : memref<1x4096xf32, #tpu.memory_space<hbm>> -> memref<4096xf32, #tpu.memory_space<hbm>>
      %dma_start3A_90 = arith.constant 8192 : i32
      %dma_start3A_91 = tpu.memref_slice %arg4[%add3A, %dma_start3A_90] : memref<26x16384xf32, #tpu.memory_space<hbm>> -> memref<1x4096xf32, #tpu.memory_space<hbm>>
      %dma_start3A_92 = tpu.memref_squeeze %dma_start3A_91 : memref<1x4096xf32, #tpu.memory_space<hbm>> -> memref<4096xf32, #tpu.memory_space<hbm>>
      tpu.enqueue_dma source(%arg8 : memref<4096xf32, #tpu.memory_space<vmem>>) target(%dma_start3A_92 : memref<4096xf32, #tpu.memory_space<hbm>>) target_semaphore(%arg12 : memref<!tpu.dma_semaphore, #tpu.memory_space<semaphore_mem>>)
      %dma_wait3A_93 = arith.constant 12288 : i32
      %dma_wait3A_94 = tpu.memref_slice %arg3[%add3A, %dma_wait3A_93] : memref<26x16384xi32, #tpu.memory_space<hbm>> -> memref<1x4096xi32, #tpu.memory_space<hbm>>
      %dma_wait3A_95 = tpu.memref_squeeze %dma_wait3A_94 : memref<1x4096xi32, #tpu.memory_space<hbm>> -> memref<4096xi32, #tpu.memory_space<hbm>>
      %dma_wait3A_96 = arith.constant 12288 : i32
      %dma_wait3A_97 = tpu.memref_slice %arg3[%add3A, %dma_wait3A_96] : memref<26x16384xi32, #tpu.memory_space<hbm>> -> memref<1x4096xi32, #tpu.memory_space<hbm>>
      %dma_wait3A_98 = tpu.memref_squeeze %dma_wait3A_97 : memref<1x4096xi32, #tpu.memory_space<hbm>> -> memref<4096xi32, #tpu.memory_space<hbm>>
      tpu.wait_dma2 semaphore(%arg11 : memref<!tpu.dma_semaphore, #tpu.memory_space<semaphore_mem>>) src(%dma_wait3A_98 : memref<4096xi32, #tpu.memory_space<hbm>>) dst(%arg7 : memref<4096xi32, #tpu.memory_space<vmem>>)
      %dma_wait3A_99 = arith.constant 4096 : i32
      %dma_wait3A_100 = tpu.memref_slice %arg4[%add3A, %dma_wait3A_99] : memref<26x16384xf32, #tpu.memory_space<hbm>> -> memref<1x4096xf32, #tpu.memory_space<hbm>>
      %dma_wait3A_101 = tpu.memref_squeeze %dma_wait3A_100 : memref<1x4096xf32, #tpu.memory_space<hbm>> -> memref<4096xf32, #tpu.memory_space<hbm>>
      %dma_wait3A_102 = arith.constant 4096 : i32
      %dma_wait3A_103 = tpu.memref_slice %arg4[%add3A, %dma_wait3A_102] : memref<26x16384xf32, #tpu.memory_space<hbm>> -> memref<1x4096xf32, #tpu.memory_space<hbm>>
      %dma_wait3A_104 = tpu.memref_squeeze %dma_wait3A_103 : memref<1x4096xf32, #tpu.memory_space<hbm>> -> memref<4096xf32, #tpu.memory_space<hbm>>
      tpu.wait_dma2 semaphore(%arg12 : memref<!tpu.dma_semaphore, #tpu.memory_space<semaphore_mem>>) src(%arg9 : memref<4096xf32, #tpu.memory_space<vmem>>) dst(%dma_wait3A_104 : memref<4096xf32, #tpu.memory_space<hbm>>)
      %scan3A_105 = arith.constant 0 : i32
      %scan3A_106 = arith.constant 256 : i32
      %scan3A_107 = arith.addi %scan3A_105, %scan3A_106 : i32
      %scan3A_108 = arith.constant 8 : i32
      scf.for %scan3A_128 = %scan3A_105 to %scan3A_107 step %scan3A_108  : i32 {
        %mul3A_129 = arith.constant 1 : i32
        %mul3A_130 = arith.muli %scan3A_128, %mul3A_129 : i32
        %add3A_131 = arith.constant 0 : i32
        %add3A_132 = arith.addi %add3A_131, %mul3A_130 : i32
        %mul3A_133 = arith.constant 16 : i32
        %mul3A_134 = arith.muli %add3A_132, %mul3A_133 : i32
        %get3A = arith.index_cast %mul3A_134 : i32 to index
        %get3A_135 = tpu.vector_load %arg7[%get3A] {strides = array<i32>} : memref<4096xi32, #tpu.memory_space<vmem>>, vector<16xi32>,
        %gather3A = tpu.vector_load_idx %arg5[%get3A_135] : memref<100000xf32, #tpu.memory_space<vmem>>[vector<16xi32>], vector<16xf32>,
        %swap3A = arith.index_cast %mul3A_134 : i32 to index
        %swap3A_136 = tpu.vector_load %arg9[%swap3A] {strides = array<i32>} : memref<4096xf32, #tpu.memory_space<vmem>>, vector<16xf32>,
        tpu.vector_store %arg9[%swap3A], %gather3A {strides = array<i32>} : memref<4096xf32, #tpu.memory_space<vmem>>, vector<16xf32>,
        %scan3A_137 = arith.constant 1 : i32
        %scan3A_138 = arith.addi %scan3A_128, %scan3A_137 : i32
        %mul3A_139 = arith.constant 1 : i32
        %mul3A_140 = arith.muli %scan3A_138, %mul3A_139 : i32
        %add3A_141 = arith.constant 0 : i32
        %add3A_142 = arith.addi %add3A_141, %mul3A_140 : i32
        %mul3A_143 = arith.constant 16 : i32
        %mul3A_144 = arith.muli %add3A_142, %mul3A_143 : i32
        %get3A_145 = arith.index_cast %mul3A_144 : i32 to index
        %get3A_146 = tpu.vector_load %arg7[%get3A_145] {strides = array<i32>} : memref<4096xi32, #tpu.memory_space<vmem>>, vector<16xi32>,
        %gather3A_147 = tpu.vector_load_idx %arg5[%get3A_146] : memref<100000xf32, #tpu.memory_space<vmem>>[vector<16xi32>], vector<16xf32>,
        %swap3A_148 = arith.index_cast %mul3A_144 : i32 to index
        %swap3A_149 = tpu.vector_load %arg9[%swap3A_148] {strides = array<i32>} : memref<4096xf32, #tpu.memory_space<vmem>>, vector<16xf32>,
        tpu.vector_store %arg9[%swap3A_148], %gather3A_147 {strides = array<i32>} : memref<4096xf32, #tpu.memory_space<vmem>>, vector<16xf32>,
        %scan3A_150 = arith.constant 2 : i32
        %scan3A_151 = arith.addi %scan3A_128, %scan3A_150 : i32
        %mul3A_152 = arith.constant 1 : i32
        %mul3A_153 = arith.muli %scan3A_151, %mul3A_152 : i32
        %add3A_154 = arith.constant 0 : i32
        %add3A_155 = arith.addi %add3A_154, %mul3A_153 : i32
        %mul3A_156 = arith.constant 16 : i32
        %mul3A_157 = arith.muli %add3A_155, %mul3A_156 : i32
        %get3A_158 = arith.index_cast %mul3A_157 : i32 to index
        %get3A_159 = tpu.vector_load %arg7[%get3A_158] {strides = array<i32>} : memref<4096xi32, #tpu.memory_space<vmem>>, vector<16xi32>,
        %gather3A_160 = tpu.vector_load_idx %arg5[%get3A_159] : memref<100000xf32, #tpu.memory_space<vmem>>[vector<16xi32>], vector<16xf32>,
        %swap3A_161 = arith.index_cast %mul3A_157 : i32 to index
        %swap3A_162 = tpu.vector_load %arg9[%swap3A_161] {strides = array<i32>} : memref<4096xf32, #tpu.memory_space<vmem>>, vector<16xf32>,
        tpu.vector_store %arg9[%swap3A_161], %gather3A_160 {strides = array<i32>} : memref<4096xf32, #tpu.memory_space<vmem>>, vector<16xf32>,
        %scan3A_163 = arith.constant 3 : i32
        %scan3A_164 = arith.addi %scan3A_128, %scan3A_163 : i32
        %mul3A_165 = arith.constant 1 : i32
        %mul3A_166 = arith.muli %scan3A_164, %mul3A_165 : i32
        %add3A_167 = arith.constant 0 : i32
        %add3A_168 = arith.addi %add3A_167, %mul3A_166 : i32
        %mul3A_169 = arith.constant 16 : i32
        %mul3A_170 = arith.muli %add3A_168, %mul3A_169 : i32
        %get3A_171 = arith.index_cast %mul3A_170 : i32 to index
        %get3A_172 = tpu.vector_load %arg7[%get3A_171] {strides = array<i32>} : memref<4096xi32, #tpu.memory_space<vmem>>, vector<16xi32>,
        %gather3A_173 = tpu.vector_load_idx %arg5[%get3A_172] : memref<100000xf32, #tpu.memory_space<vmem>>[vector<16xi32>], vector<16xf32>,
        %swap3A_174 = arith.index_cast %mul3A_170 : i32 to index
        %swap3A_175 = tpu.vector_load %arg9[%swap3A_174] {strides = array<i32>} : memref<4096xf32, #tpu.memory_space<vmem>>, vector<16xf32>,
        tpu.vector_store %arg9[%swap3A_174], %gather3A_173 {strides = array<i32>} : memref<4096xf32, #tpu.memory_space<vmem>>, vector<16xf32>,
        %scan3A_176 = arith.constant 4 : i32
        %scan3A_177 = arith.addi %scan3A_128, %scan3A_176 : i32
        %mul3A_178 = arith.constant 1 : i32
        %mul3A_179 = arith.muli %scan3A_177, %mul3A_178 : i32
        %add3A_180 = arith.constant 0 : i32
        %add3A_181 = arith.addi %add3A_180, %mul3A_179 : i32
        %mul3A_182 = arith.constant 16 : i32
        %mul3A_183 = arith.muli %add3A_181, %mul3A_182 : i32
        %get3A_184 = arith.index_cast %mul3A_183 : i32 to index
        %get3A_185 = tpu.vector_load %arg7[%get3A_184] {strides = array<i32>} : memref<4096xi32, #tpu.memory_space<vmem>>, vector<16xi32>,
        %gather3A_186 = tpu.vector_load_idx %arg5[%get3A_185] : memref<100000xf32, #tpu.memory_space<vmem>>[vector<16xi32>], vector<16xf32>,
        %swap3A_187 = arith.index_cast %mul3A_183 : i32 to index
        %swap3A_188 = tpu.vector_load %arg9[%swap3A_187] {strides = array<i32>} : memref<4096xf32, #tpu.memory_space<vmem>>, vector<16xf32>,
        tpu.vector_store %arg9[%swap3A_187], %gather3A_186 {strides = array<i32>} : memref<4096xf32, #tpu.memory_space<vmem>>, vector<16xf32>,
        %scan3A_189 = arith.constant 5 : i32
        %scan3A_190 = arith.addi %scan3A_128, %scan3A_189 : i32
        %mul3A_191 = arith.constant 1 : i32
        %mul3A_192 = arith.muli %scan3A_190, %mul3A_191 : i32
        %add3A_193 = arith.constant 0 : i32
        %add3A_194 = arith.addi %add3A_193, %mul3A_192 : i32
        %mul3A_195 = arith.constant 16 : i32
        %mul3A_196 = arith.muli %add3A_194, %mul3A_195 : i32
        %get3A_197 = arith.index_cast %mul3A_196 : i32 to index
        %get3A_198 = tpu.vector_load %arg7[%get3A_197] {strides = array<i32>} : memref<4096xi32, #tpu.memory_space<vmem>>, vector<16xi32>,
        %gather3A_199 = tpu.vector_load_idx %arg5[%get3A_198] : memref<100000xf32, #tpu.memory_space<vmem>>[vector<16xi32>], vector<16xf32>,
        %swap3A_200 = arith.index_cast %mul3A_196 : i32 to index
        %swap3A_201 = tpu.vector_load %arg9[%swap3A_200] {strides = array<i32>} : memref<4096xf32, #tpu.memory_space<vmem>>, vector<16xf32>,
        tpu.vector_store %arg9[%swap3A_200], %gather3A_199 {strides = array<i32>} : memref<4096xf32, #tpu.memory_space<vmem>>, vector<16xf32>,
        %scan3A_202 = arith.constant 6 : i32
        %scan3A_203 = arith.addi %scan3A_128, %scan3A_202 : i32
        %mul3A_204 = arith.constant 1 : i32
        %mul3A_205 = arith.muli %scan3A_203, %mul3A_204 : i32
        %add3A_206 = arith.constant 0 : i32
        %add3A_207 = arith.addi %add3A_206, %mul3A_205 : i32
        %mul3A_208 = arith.constant 16 : i32
        %mul3A_209 = arith.muli %add3A_207, %mul3A_208 : i32
        %get3A_210 = arith.index_cast %mul3A_209 : i32 to index
        %get3A_211 = tpu.vector_load %arg7[%get3A_210] {strides = array<i32>} : memref<4096xi32, #tpu.memory_space<vmem>>, vector<16xi32>,
        %gather3A_212 = tpu.vector_load_idx %arg5[%get3A_211] : memref<100000xf32, #tpu.memory_space<vmem>>[vector<16xi32>], vector<16xf32>,
        %swap3A_213 = arith.index_cast %mul3A_209 : i32 to index
        %swap3A_214 = tpu.vector_load %arg9[%swap3A_213] {strides = array<i32>} : memref<4096xf32, #tpu.memory_space<vmem>>, vector<16xf32>,
        tpu.vector_store %arg9[%swap3A_213], %gather3A_212 {strides = array<i32>} : memref<4096xf32, #tpu.memory_space<vmem>>, vector<16xf32>,
        %scan3A_215 = arith.constant 7 : i32
        %scan3A_216 = arith.addi %scan3A_128, %scan3A_215 : i32
        %mul3A_217 = arith.constant 1 : i32
        %mul3A_218 = arith.muli %scan3A_216, %mul3A_217 : i32
        %add3A_219 = arith.constant 0 : i32
        %add3A_220 = arith.addi %add3A_219, %mul3A_218 : i32
        %mul3A_221 = arith.constant 16 : i32
        %mul3A_222 = arith.muli %add3A_220, %mul3A_221 : i32
        %get3A_223 = arith.index_cast %mul3A_222 : i32 to index
        %get3A_224 = tpu.vector_load %arg7[%get3A_223] {strides = array<i32>} : memref<4096xi32, #tpu.memory_space<vmem>>, vector<16xi32>,
        %gather3A_225 = tpu.vector_load_idx %arg5[%get3A_224] : memref<100000xf32, #tpu.memory_space<vmem>>[vector<16xi32>], vector<16xf32>,
        %swap3A_226 = arith.index_cast %mul3A_222 : i32 to index
        %swap3A_227 = tpu.vector_load %arg9[%swap3A_226] {strides = array<i32>} : memref<4096xf32, #tpu.memory_space<vmem>>, vector<16xf32>,
        tpu.vector_store %arg9[%swap3A_226], %gather3A_225 {strides = array<i32>} : memref<4096xf32, #tpu.memory_space<vmem>>, vector<16xf32>,
      }
      %scan3A_109 = arith.constant 256 : i32
      %dma_start3A_110 = arith.constant 12288 : i32
      %dma_start3A_111 = tpu.memref_slice %arg4[%add3A, %dma_start3A_110] : memref<26x16384xf32, #tpu.memory_space<hbm>> -> memref<1x4096xf32, #tpu.memory_space<hbm>>
      %dma_start3A_112 = tpu.memref_squeeze %dma_start3A_111 : memref<1x4096xf32, #tpu.memory_space<hbm>> -> memref<4096xf32, #tpu.memory_space<hbm>>
      %dma_start3A_113 = arith.constant 12288 : i32
      %dma_start3A_114 = tpu.memref_slice %arg4[%add3A, %dma_start3A_113] : memref<26x16384xf32, #tpu.memory_space<hbm>> -> memref<1x4096xf32, #tpu.memory_space<hbm>>
      %dma_start3A_115 = tpu.memref_squeeze %dma_start3A_114 : memref<1x4096xf32, #tpu.memory_space<hbm>> -> memref<4096xf32, #tpu.memory_space<hbm>>
      tpu.enqueue_dma source(%arg9 : memref<4096xf32, #tpu.memory_space<vmem>>) target(%dma_start3A_115 : memref<4096xf32, #tpu.memory_space<hbm>>) target_semaphore(%arg12 : memref<!tpu.dma_semaphore, #tpu.memory_space<semaphore_mem>>)
      %dma_wait3A_116 = arith.constant 8192 : i32
      %dma_wait3A_117 = tpu.memref_slice %arg4[%add3A, %dma_wait3A_116] : memref<26x16384xf32, #tpu.memory_space<hbm>> -> memref<1x4096xf32, #tpu.memory_space<hbm>>
      %dma_wait3A_118 = tpu.memref_squeeze %dma_wait3A_117 : memref<1x4096xf32, #tpu.memory_space<hbm>> -> memref<4096xf32, #tpu.memory_space<hbm>>
      %dma_wait3A_119 = arith.constant 8192 : i32
      %dma_wait3A_120 = tpu.memref_slice %arg4[%add3A, %dma_wait3A_119] : memref<26x16384xf32, #tpu.memory_space<hbm>> -> memref<1x4096xf32, #tpu.memory_space<hbm>>
      %dma_wait3A_121 = tpu.memref_squeeze %dma_wait3A_120 : memref<1x4096xf32, #tpu.memory_space<hbm>> -> memref<4096xf32, #tpu.memory_space<hbm>>
      tpu.wait_dma2 semaphore(%arg12 : memref<!tpu.dma_semaphore, #tpu.memory_space<semaphore_mem>>) src(%arg8 : memref<4096xf32, #tpu.memory_space<vmem>>) dst(%dma_wait3A_121 : memref<4096xf32, #tpu.memory_space<hbm>>)
      %dma_wait3A_122 = arith.constant 12288 : i32
      %dma_wait3A_123 = tpu.memref_slice %arg4[%add3A, %dma_wait3A_122] : memref<26x16384xf32, #tpu.memory_space<hbm>> -> memref<1x4096xf32, #tpu.memory_space<hbm>>
      %dma_wait3A_124 = tpu.memref_squeeze %dma_wait3A_123 : memref<1x4096xf32, #tpu.memory_space<hbm>> -> memref<4096xf32, #tpu.memory_space<hbm>>
      %dma_wait3A_125 = arith.constant 12288 : i32
      %dma_wait3A_126 = tpu.memref_slice %arg4[%add3A, %dma_wait3A_125] : memref<26x16384xf32, #tpu.memory_space<hbm>> -> memref<1x4096xf32, #tpu.memory_space<hbm>>
      %dma_wait3A_127 = tpu.memref_squeeze %dma_wait3A_126 : memref<1x4096xf32, #tpu.memory_space<hbm>> -> memref<4096xf32, #tpu.memory_space<hbm>>
      tpu.wait_dma2 semaphore(%arg12 : memref<!tpu.dma_semaphore, #tpu.memory_space<semaphore_mem>>) src(%arg9 : memref<4096xf32, #tpu.memory_space<vmem>>) dst(%dma_wait3A_127 : memref<4096xf32, #tpu.memory_space<hbm>>)
    } else {
    }
    return
  }
}

</mosaic_0001>

<sc_bundles>
// kernel: kernel.3.cloned.1.call-start
scs
__scs_entry_jumppad:
0x0: {  	(pc) =	sbr.rel $0x88, $3  }
0x1: {  	(tag) =	ssettag $0x0;
	lr =	simm.s32 $0x1  }
0x2: {  	[smem:$0x3F9F] =	sst lr;
	_ =	strace $0xD0000000  }
0x3: {  	_ = 	snop  }
0x4: {  	_ = 	snop  }
0x5: {  	_ = 	snop  }
0x6: {  	_ = 	snop  }
0x7: {  	_ = 	snop  }
__scs_overlays_trampoline_lowered:
0x8: {  	[smem:$0x3FAE] =	sst s0  }
0x9: {  	[smem:$0x3FAF] =	sst s1  }
0xa: {  	[smem:$0x3FB0] =	sst s2  }
0xb: {  	[smem:$0x3FB1] =	sst s3  }
0xc: {  	[smem:$0x3FB2] =	sst s4  }
0xd: {  	[smem:$0x3FB3] =	sst s5  }
0xe: {  	[smem:$0x3FB4] =	sst s6  }
0xf: {  	[smem:$0x3FB5] =	sst s7  }
0x10: {  	[smem:$0x3FB6] =	sst s8  }
0x11: {  	[smem:$0x3FB7] =	sst s9;
	s0 =	simm.s32 @!p0 $0x0  }
0x12: {  	s1 =	sld [smem:$0x3F9D];
	s0 =	simm.s32 @p0 $0x1  }
0x13: {  	[smem:$0x3FB8] =	sst s0;
	s0 =	simm.s32 @!p1 $0x0  }
0x14: {  	s2 =	sld [smem:$0x3F9C];
	s0 =	simm.s32 @p1 $0x1  }
0x15: {  	[smem:$0x3FB9] =	sst s0;
	s0 =	simm.s32 @!p2 $0x0  }
0x16: {  	s3 =	sld [smem:$0x3FDB];
	s0 =	simm.s32 @p2 $0x1  }
0x17: {  	s4 =	simm.s32 $0x1BF5;
	[smem:$0x3FBB] =	sst s0  }
0x18: {  	s0 =	sld [smem:$0x3F9E];
	_ =	swait.ge [sflag:s4], $0x0  }
0x19: {  	s7 =	sld [smem:$0x3F9F]  }
0x1a: {  	s8 =	sadd.s32 $0xFFFFE003, lr  }
0x1b: {  	s9 =	sadd.s32 $0xFFFFFEF7, lr;
	s5 =	simm.s32 $0xFFFFFFFF;
	p2 =	slt.u32 s8, $0xFFFFF086  }
0x1c: {  	p1 =	slt.u32 s9, $0xF7A;
	s5 =	simm.s32 @!p2 $0x0  }
0x1d: {  	s5 =	simm.s32 @p1 $0x1;
	p0 =	seq.s32 s7, s2  }
0x1e: {  	s7 =	smul.u32 @!p0 $0xF7A, s2;
	p2 =	seq.s32 @!p0 s5, $0x0  }
0x1f: {  	s9 =	smul.u32 $0xF7A, s1;
	s8 =	simm.s32 @!p0 $0x1BF5;
	p2 =	por !p2, p0  }
0x20: {  	[sflag:s8] =	ssyncset.s32 @!p0 $0xFFFFF086;
	s6 =	sadd.s32 @!p0 s3, s7;
	s7 =	simm.s32 @!p0 $0x108  }
0x21: {  	s3 =	sadd.s32 s3, s9;
	s6 =	sadd.s32 @!p0 $0x88, s6;
	s7 =	simm.s32 @p2 $0x1082  }
0x22: {  	[simem:s7], [sflag:s8] =	dma.local @!p0 [hbm:s6], $0xF7A  }
0x23: {  	s9 =	sor.u32 $0xD0000000, s2;
	s6 =	simm.s32 $0x108;
	_ =	swait.ge @!p0 [sflag:s8], $0x0  }
0x24: {  	s3 =	sadd.s32 $0x88, s3;
	s6 =	simm.s32 @!p1 $0x1082;
	[sflag:s4] =	ssyncset.s32 $0xFFFFF086  }
0x25: {  	[simem:s6], [sflag:s4] =	dma.local [hbm:s3], $0xF7A  }
0x26: {  	[smem:$0x3F9F] =	sst s1;
	(tag) =	ssettag s2;
	_ =	strace s9  }
0x27: {  	s1 =	sld [smem:$0x3FAF]  }
0x28: {  	s2 =	sld [smem:$0x3FB0]  }
0x29: {  	s4 =	sld [smem:$0x3FB2]  }
0x2a: {  	p0 =	seq.s32 s5, $0x0;
	s5 =	sld [smem:$0x3FB3]  }
0x2b: {  	s6 =	sld [smem:$0x3FB4]  }
0x2c: {  	s7 =	sld [smem:$0x3FB5]  }
0x2d: {  	s3 =	simm.s32 $0x108;
	s8 =	sld [smem:$0x3FB6]  }
0x2e: {  	s3 =	simm.s32 @!p0 $0x1082;
	s9 =	sld [smem:$0x3FB7]  }
0x2f: {  	lr =	sadd.s32 s0, s3;
	s0 =	sld [smem:$0x3FAE]  }
0x30: {  	s3 =	sld [smem:$0x3FB1]  }
0x31: {  	[smem:$0x3FBA] =	sst s10  }
0x32: {  	s10 =	sld [smem:$0x3FB8];
	_ =	sdelay $0x3  }
0x33: {  	p0 =	seq.s32 s10, $0x1;
	s10 =	sld [smem:$0x3FBA];
	_ =	sdelay $0x3  }
0x34: {  	[smem:$0x3FBA] =	sst s10  }
0x35: {  	s10 =	sld [smem:$0x3FB9];
	_ =	sdelay $0x3  }
0x36: {  	p1 =	seq.s32 s10, $0x1;
	s10 =	sld [smem:$0x3FBA];
	_ =	sdelay $0x3  }
0x37: {  	[smem:$0x3FBA] =	sst s10  }
0x38: {  	s10 =	sld [smem:$0x3FBB]  }
0x39: {  	_ = 	snop;
	(pc) =	sbr.ind lr, $3  }
0x3a: {  	_ = 	snop  }
0x3b: {  	_ = 	snop  }
0x3c: {  	p2 =	seq.s32 s10, $0x1;
	s10 =	sld [smem:$0x3FBA]  }
0x3d: {  	_ =	shalt  }
0x3e: {  	_ =	shalt  }
0x3f: {  	_ =	shalt  }
0x40: {  	_ =	shalt  }
0x41: {  	_ =	shalt  }
0x42: {  	_ =	shalt  }
0x43: {  	_ =	shalt  }
0x44: {  	_ =	shalt  }
0x45: {  	_ =	shalt  }
0x46: {  	_ =	shalt  }
0x47: {  	_ =	shalt  }
0x48: {  	_ =	shalt  }
0x49: {  	_ =	shalt  }
0x4a: {  	_ =	shalt  }
0x4b: {  	_ =	shalt  }
0x4c: {  	_ =	shalt  }
0x4d: {  	_ =	shalt  }
0x4e: {  	_ =	shalt  }
0x4f: {  	_ =	shalt  }
0x50: {  	_ =	shalt  }
0x51: {  	_ =	shalt  }
0x52: {  	_ =	shalt  }
0x53: {  	_ =	shalt  }
0x54: {  	_ =	shalt  }
0x55: {  	_ =	shalt  }
0x56: {  	_ =	shalt  }
0x57: {  	_ =	shalt  }
0x58: {  	_ =	shalt  }
0x59: {  	_ =	shalt  }
0x5a: {  	_ =	shalt  }
0x5b: {  	_ =	shalt  }
0x5c: {  	_ =	shalt  }
0x5d: {  	_ =	shalt  }
0x5e: {  	_ =	shalt  }
0x5f: {  	_ =	shalt  }
0x60: {  	_ =	shalt  }
0x61: {  	_ =	shalt  }
0x62: {  	_ =	shalt  }
0x63: {  	_ =	shalt  }
0x64: {  	_ =	shalt  }
0x65: {  	_ =	shalt  }
0x66: {  	_ =	shalt  }
0x67: {  	_ =	shalt  }
0x68: {  	_ =	shalt  }
0x69: {  	_ =	shalt  }
0x6a: {  	_ =	shalt  }
0x6b: {  	_ =	shalt  }
0x6c: {  	_ =	shalt  }
0x6d: {  	_ =	shalt  }
0x6e: {  	_ =	shalt  }
0x6f: {  	_ =	shalt  }
0x70: {  	_ =	shalt  }
0x71: {  	_ =	shalt  }
0x72: {  	_ =	shalt  }
0x73: {  	_ =	shalt  }
0x74: {  	_ =	shalt  }
0x75: {  	_ =	shalt  }
0x76: {  	_ =	shalt  }
0x77: {  	_ =	shalt  }
0x78: {  	_ =	shalt  }
0x79: {  	_ =	shalt  }
0x7a: {  	_ =	shalt  }
0x7b: {  	_ =	shalt  }
0x7c: {  	_ =	shalt  }
0x7d: {  	_ =	shalt  }
0x7e: {  	_ =	shalt  }
0x7f: {  	_ =	shalt  }
0x80: {  	_ =	shalt  }
0x81: {  	_ =	shalt  }
0x82: {  	_ =	shalt  }
0x83: {  	_ =	shalt  }
0x84: {  	_ =	shalt  }
0x85: {  	_ =	shalt  }
0x86: {  	_ =	shalt  }
0x87: {  	_ =	shalt  }
.Lfunc_end0:
.L_simem_size_0:
called_computation_lowered:
.L_overlay_start_0:
0x88: {  	s2 =	sld [smem:$0x3FD9]  }
0x89: {  	s3 =	sld [smem:$0x3FFE];
	_ =	sdelay $0x1  }
0x8a: {  	s1 =	srdreg.scid  }
0x8b: {  	s0 =	sand.u32 $0x1, s1  }
0x8c: {  	s17 =	sshll.u32 s0, $0xA;
	s2 =	sadd.s32 s3, s2  }
0x8d: {  	s2 =	sadd.s32 s2, s17  }
0x8e: {  	[smem:$0x3FC6] =	sst s2  }
0x8f: {  	_ = 	snop  }
0x90: {  	s2 =	sld [smem:$0x3FC9]  }
0x91: {  	s18 =	sld [smem:$0x3FD0];
	(tm) =	ssettm $0x1  }
0x92: {  	s4 =	sld [smem:$0x3FFB];
	_ =	sdelay $0x3  }
0x93: {  	_ =	strace s4  }
0x94: {  	s4 =	sld [smem:$0x3FFC];
	_ =	sdelay $0x3  }
0x95: {  	_ =	strace s4  }
0x96: {  	s4 =	sld [smem:$0x3FFD];
	_ =	sdelay $0x3  }
0x97: {  	_ =	strace s4  }
0x98: {  	_ =	strace $0x8FFFFFFF  }
0x99: {  	s19 =	sld [smem:$0x3FDB];
	_ =	sdelay $0x1  }
0x9a: {  	s5 =	simm.s32 $_scs_section_size  }
0x9b: {  	s6 =	simm.s32 $_size__tile_overlayer_lowered;
	s7 =	simm.s32 $_tile_overlayer_lowered  }
0x9c: {  	s22 =	simm.s32 $0x1BFF;
	s21 =	sshll.u32 s7, $0x1;
	s4 =	sadd.s32 s5, s19  }
0x9d: {  	s8 =	simm.s32 $0x0;
	s20 =	sshll.u32 s6, $0x1;
	s6 =	sadd.s32 s21, s4  }
0x9e: {  	[timem:s8], [sflag:s22] =	dma.local [hbm:s6], s20  }
0x9f: {  	_ =	swait.ge [sflag:s22], s20  }
0xa0: {  	s5 =	ssub.s32 $0x0, s20;
	[sflag:s22] =	ssyncset.done $0x0  }
0xa1: {  	[sflag:s22] =	ssyncadd.s32 s5;
	_ =	sdelay $0x1  }
0xa2: {  	s23 =	simm.s32 $0x1B8B  }
0xa3: {  	_ =	swait.ge [sflag:s23], $0x1  }
0xa4: {  	[sflag:s23] =	ssyncset.done $0x0  }
0xa5: {  	s25 =	simm.s32 $0x1B8E;
	s24 =	sld [smem:$0x3FFE];
	[sflag:s23] =	ssyncadd.s32 $0xFFFFFFFF  }
0xa6: {  	s26 =	simm.s32 $execute0_lowered;
	[smem:$0x3FD2] =	sst s25  }
0xa7: {  	s6 =	sshll.u32 s26, $0x1;
	_ =	strace $0x80000046;
	[dreg:$0x1] =	wrdreg $0xFFFFFFFF  }
0xa8: {  	s28 =	simm.s32 $_size_execute0_lowered;
	s4 =	sadd.s32 s4, s6;
	[dreg:$0x0] =	wrdreg $0x0  }
0xa9: {  	s6 =	sshll.u32 s28, $0x1;
	[dreg:$0x2] =	wrdreg s4  }
0xaa: {  	[dreg:$0x3] =	wrdreg s6  }
0xab: {  	[dreg:$0x4] =	wrdreg $0xC0  }
0xac: {  	_ =	task [dreg:s8], $0x5FFFF  }
0xad: {  	[dreg:$0x1] =	wrdreg $0xFFFFFFFF  }
0xae: {  	[dreg:$0x0] =	wrdreg $0x60  }
0xaf: {  	[dreg:$0x2] =	wrdreg s24  }
0xb0: {  	[dreg:$0x3] =	wrdreg s2  }
0xb1: {  	[dreg:$0x4] =	wrdreg s18  }
0xb2: {  	[dreg:$0x5] =	wrdreg $0x9  }
0xb3: {  	_ =	task.clear_ibuf [dreg:s8], $0x6FFFF;
	_ =	strace $0x90000046  }
0xb4: {  	s29 =	simm.s32 $0x9;
	_ =	strace $0x80000048  }
0xb5: {  	_ =	swait.ge [sflag:s29], $0x1  }
0xb6: {  	[sflag:s29] =	ssyncadd.s32 $0xFFFFFFFF  }
0xb7: {  	_ =	strace $0x90000048  }
0xb8: {  	_ =	sfence  }
0xb9: {  	s30 =	sld [smem:$0x0];
	_ =	sdelay $0x2  }
0xba: {  	s31 =	sshll.u32 s1, $0xD;
	s1 =	sshrl.u32 s1, $0x2  }
0xbb: {  	s3 =	sand.u32 $0x4000, s31;
	s1 =	sadd.s32 s1, s30  }
0xbc: {  	s0 =	sor.u32 s3, s0;
	s1 =	sshll.u32 s1, $0x11  }
0xbd: {  	s0 =	sor.u32 s1, s0  }
0xbe: {  	s0 =	sadd.s32 $0x8F2B, s0  }
0xbf: {  	[sflag:s0] =	ssyncadd.remote.s32 $0x1  }
0xc0: {  	_ =	sfence.sel $0xFFFF  }
0xc1: {  	[dreg:$0x0] =	wrdreg $0xFFFFFFFF;
	(pc) =	sbr.abs _section_cstart, $3  }
0xc2: {  	[dreg:$0x1] =	wrdreg $0xFFFFFFFF  }
0xc3: {  	_ =	task.clear_ibuf [dreg:s8], $0x2FFFF;
	_ =	strace $0x9FFFFFFF  }
0xc4: {  	(tm) =	ssettm $0x7FFFFFFF  }
0xc5: {  	_ =	shalt  }
tec
execute0_lowered:
.L_overlay_start_1:
0x0: {  	(tag) =	ssettag $0x1  }
0x1: {  	s1 =	stileid.u32  }
0x2: {  	p0 =	sgt.u32 s1, $0xC  }
.Ltmp0:
0x3: {  	s3 =	rddreg [dreg:$0x0];
	(pc) =	sbr.rel @p0 .LBB2_11-.Ltmp0, $4  }
0x4: {  	s10 =	rddreg [dreg:$0x1]  }
0x5: {  	s8 =	rddreg [dreg:$0x2];
	s2 =	simm.s32 $0x0  }
0x6: {  	[smem:$0x7FF] =	sst s2  }
0x7: {  	s0 =	rddreg [dreg:$0x3];
	_ =	strace $0x80000047  }
0x8: {  	s4 =	srdreg.scid  }
0x9: {  	s26 =	sshll.u32 s1, $0x8;
	s7 =	sshrl.u32 s1, $0x2;
	s12 =	sadd.s32 $0x400, s3  }
0xa: {  	s18 =	simm.s32 $0x2;
	s19 =	simm.s32 $0x1A700;
	s20 =	simm.s32 $0x1B700  }
0xb: {  	s21 =	simm.s32 $0x3;
	s22 =	simm.s32 $0x0;
	s6 =	sand.u32 $0x1, s4  }
0xc: {  	s4 =	sand.u32 $0x300, s26;
	s17 =	smul.u32 $0xC3800, s7;
	s5 =	sshll.u32 s6, $0x7  }
0xd: {  	s28 =	sshll.u32 s7, $0x11;
	s16 =	ssub.s32 $0x2, s6;
	s9 =	sor.u32 s5, s4  }
0xe: {  	s29 =	sshrl.u32 s16, $0x1;
	s4 =	sor.u32 s28, s9;
	s30 =	sor.u32 s17, s9  }
0xf: {  	s17 =	simm.s32 $0x1;
	s11 =	sshrl.u32 s4, $0x3;
	s31 =	sshrl.u32 s30, $0x3  }
0x10: {  	s13 =	sor.u32 $0x1000, s11;
	s14 =	sor.u32 $0x2000, s11;
	s3 =	sadd.s32 s8, s11  }
0x11: {  	s15 =	sor.u32 $0x3000, s11;
	s4 =	sadd.s32 s10, s14;
	s5 =	sadd.s32 s8, s13  }
0x12: {  	s6 =	sadd.s32 s10, s15;
	s7 =	sadd.s32 s8, s14;
	s8 =	sadd.s32 s8, s15  }
0x13: {  	s14 =	ssub.s32 s16, s29;
	s9 =	sadd.s32 s10, s13;
	s10 =	sadd.s32 s10, s11  }
0x14: {  	s11 =	sadd.s32 s12, s31;
	s13 =	simm.s32 $0x80;
	s15 =	simm.s32 $0x18700  }
0x15: {  	s16 =	simm.s32 $0x19700;
	s12 =	smax.u32 s14, $0x1;
	s14 =	simm.s32 $0x400  }
.LBB2_2:
0x16: {  	[tilespmem:s2], [sflag:$0x1] =	stream.strided.gather [hbm4b:s11+s13], $0x18700, s14, s13, $0x38;
	[tilespmem:$0x1C700] =	vst v63  }
0x17: {  	_ = 	snop  }
0x18: {  	[tilespmem:s15], [sflag:$0x2] =	stream.strided.gather [hbm4b:s10+s13], $0x1000, s14, s13, $0x38;
	[tilespmem:$0x1C700] =	vst v63  }
0x19: {  	_ = 	snop  }
0x1a: {  	[tilespmem:s16], [sflag:$0x2] =	stream.strided.gather [hbm4b:s9+s13], $0x1000, s14, s13, $0x38;
	[tilespmem:$0x1C700] =	vst v63  }
0x1b: {  	_ =	swait.ge [sflag:s17], $0x18700  }
0x1c: {  	[sflag:s17] =	ssyncset.done $0x0  }
0x1d: {  	[sflag:s17] =	ssyncadd.s32 $0xFFFE7900  }
0x1e: {  	_ =	swait.ge [sflag:s18], $0x1000  }
0x1f: {  	s23 =	simm.s32 $0xFFFFFFF8;
	[sflag:s18] =	ssyncset.done $0x0  }
0x20: {  	s24 =	simm.s32 $0x18740;
	s25 =	simm.s32 $0x1A740;
	[sflag:s18] =	ssyncadd.s32 $0xFFFFF000  }
.LBB2_3:
0x21: {  	v0 =	vld [tilespmem:s24+$0xFFFFFFC0];
	_ =	sdelay $0x7  }
0x22: {  	v0 =	vld.idx.msk [tilespmem:v0+s2+$0x0], $0xffff;
	_ =	sdelay $0x4  }
0x23: {  	[tilespmem:s25+$0xFFFFFFC0] =	vst v0  }
0x24: {  	v0 =	vld [tilespmem:s24+$0xFFFFFFD0];
	_ =	sdelay $0x7  }
0x25: {  	v0 =	vld.idx.msk [tilespmem:v0+s2+$0x0], $0xffff;
	_ =	sdelay $0x4  }
0x26: {  	[tilespmem:s25+$0xFFFFFFD0] =	vst v0  }
0x27: {  	v0 =	vld [tilespmem:s24+$0xFFFFFFE0];
	_ =	sdelay $0x7  }
0x28: {  	v0 =	vld.idx.msk [tilespmem:v0+s2+$0x0], $0xffff;
	_ =	sdelay $0x4  }
0x29: {  	[tilespmem:s25+$0xFFFFFFE0] =	vst v0  }
0x2a: {  	v0 =	vld [tilespmem:s24+$0xFFFFFFF0];
	_ =	sdelay $0x7  }
0x2b: {  	v0 =	vld.idx.msk [tilespmem:v0+s2+$0x0], $0xffff;
	_ =	sdelay $0x4  }
0x2c: {  	[tilespmem:s25+$0xFFFFFFF0] =	vst v0  }
0x2d: {  	v0 =	vld [tilespmem:s24+$0x0];
	_ =	sdelay $0x7  }
0x2e: {  	v0 =	vld.idx.msk [tilespmem:v0+s2+$0x0], $0xffff;
	_ =	sdelay $0x4  }
0x2f: {  	[tilespmem:s25+$0x0] =	vst v0  }
0x30: {  	v0 =	vld [tilespmem:s24+$0x10];
	_ =	sdelay $0x7  }
0x31: {  	v0 =	vld.idx.msk [tilespmem:v0+s2+$0x0], $0xffff;
	_ =	sdelay $0x4  }
0x32: {  	[tilespmem:s25+$0x10] =	vst v0  }
0x33: {  	v0 =	vld [tilespmem:s24+$0x20];
	_ =	sdelay $0x7  }
0x34: {  	v0 =	vld.idx.msk [tilespmem:v0+s2+$0x0], $0xffff;
	_ =	sdelay $0x4  }
0x35: {  	[tilespmem:s25+$0x20] =	vst v0  }
0x36: {  	v0 =	vld [tilespmem:s24+$0x30];
	_ =	sdelay $0x6  }
0x37: {  	s23 =	sadd.s32 $0x8, s23  }
0x38: {  	p0 =	slt.u32 s23, $0xF8;
	v0 =	vld.idx.msk [tilespmem:v0+s2+$0x0], $0xffff  }
.Ltmp1:
0x39: {  	_ = 	snop;
	(pc) =	sbr.rel @p0 .LBB2_3-.Ltmp1, $2  }
0x3a: {  	_ =	sdelay $0x2  }
0x3b: {  	s24 =	sadd.s32 $0x80, s24;
	[tilespmem:s25+$0x30] =	vst v0;
	s25 =	sadd.s32 $0x80, s25  }
0x3c: {  	[hbm4b:s3+s13] =	stream.strided.scatter [tilespmem:s19], [sflag:$0x3], $0x1000, s14, s13, $0x38;
	[tilespmem:$0x1C700] =	vst v63  }
0x3d: {  	_ = 	snop  }
0x3e: {  	[tilespmem:s15], [sflag:$0x2] =	stream.strided.gather [hbm4b:s4+s13], $0x1000, s14, s13, $0x38;
	[tilespmem:$0x1C700] =	vst v63  }
0x3f: {  	_ =	swait.ge [sflag:s18], $0x1000  }
0x40: {  	s23 =	simm.s32 $0xFFFFFFF8;
	[sflag:s18] =	ssyncset.done $0x0  }
0x41: {  	s24 =	simm.s32 $0x19740;
	s25 =	simm.s32 $0x1B740;
	[sflag:s18] =	ssyncadd.s32 $0xFFFFF000  }
.LBB2_5:
0x42: {  	v0 =	vld [tilespmem:s24+$0xFFFFFFC0];
	_ =	sdelay $0x7  }
0x43: {  	v0 =	vld.idx.msk [tilespmem:v0+s2+$0x0], $0xffff;
	_ =	sdelay $0x4  }
0x44: {  	[tilespmem:s25+$0xFFFFFFC0] =	vst v0  }
0x45: {  	v0 =	vld [tilespmem:s24+$0xFFFFFFD0];
	_ =	sdelay $0x7  }
0x46: {  	v0 =	vld.idx.msk [tilespmem:v0+s2+$0x0], $0xffff;
	_ =	sdelay $0x4  }
0x47: {  	[tilespmem:s25+$0xFFFFFFD0] =	vst v0  }
0x48: {  	v0 =	vld [tilespmem:s24+$0xFFFFFFE0];
	_ =	sdelay $0x7  }
0x49: {  	v0 =	vld.idx.msk [tilespmem:v0+s2+$0x0], $0xffff;
	_ =	sdelay $0x4  }
0x4a: {  	[tilespmem:s25+$0xFFFFFFE0] =	vst v0  }
0x4b: {  	v0 =	vld [tilespmem:s24+$0xFFFFFFF0];
	_ =	sdelay $0x7  }
0x4c: {  	v0 =	vld.idx.msk [tilespmem:v0+s2+$0x0], $0xffff;
	_ =	sdelay $0x4  }
0x4d: {  	[tilespmem:s25+$0xFFFFFFF0] =	vst v0  }
0x4e: {  	v0 =	vld [tilespmem:s24+$0x0];
	_ =	sdelay $0x7  }
0x4f: {  	v0 =	vld.idx.msk [tilespmem:v0+s2+$0x0], $0xffff;
	_ =	sdelay $0x4  }
0x50: {  	[tilespmem:s25+$0x0] =	vst v0  }
0x51: {  	v0 =	vld [tilespmem:s24+$0x10];
	_ =	sdelay $0x7  }
0x52: {  	v0 =	vld.idx.msk [tilespmem:v0+s2+$0x0], $0xffff;
	_ =	sdelay $0x4  }
0x53: {  	[tilespmem:s25+$0x10] =	vst v0  }
0x54: {  	v0 =	vld [tilespmem:s24+$0x20];
	_ =	sdelay $0x7  }
0x55: {  	v0 =	vld.idx.msk [tilespmem:v0+s2+$0x0], $0xffff;
	_ =	sdelay $0x4  }
0x56: {  	[tilespmem:s25+$0x20] =	vst v0  }
0x57: {  	v0 =	vld [tilespmem:s24+$0x30];
	_ =	sdelay $0x6  }
0x58: {  	s23 =	sadd.s32 $0x8, s23  }
0x59: {  	p0 =	slt.u32 s23, $0xF8;
	v0 =	vld.idx.msk [tilespmem:v0+s2+$0x0], $0xffff  }
.Ltmp2:
0x5a: {  	_ = 	snop;
	(pc) =	sbr.rel @p0 .LBB2_5-.Ltmp2, $2  }
0x5b: {  	_ =	sdelay $0x2  }
0x5c: {  	s24 =	sadd.s32 $0x80, s24;
	[tilespmem:s25+$0x30] =	vst v0;
	s25 =	sadd.s32 $0x80, s25  }
0x5d: {  	[hbm4b:s5+s13] =	stream.strided.scatter [tilespmem:s20], [sflag:$0x3], $0x1000, s14, s13, $0x38;
	[tilespmem:$0x1C700] =	vst v63  }
0x5e: {  	_ = 	snop  }
0x5f: {  	[tilespmem:s16], [sflag:$0x2] =	stream.strided.gather [hbm4b:s6+s13], $0x1000, s14, s13, $0x38;
	[tilespmem:$0x1C700] =	vst v63  }
0x60: {  	_ =	swait.ge [sflag:s18], $0x1000  }
0x61: {  	[sflag:s18] =	ssyncset.done $0x0  }
0x62: {  	[sflag:s18] =	ssyncadd.s32 $0xFFFFF000  }
0x63: {  	_ =	swait.ge [sflag:s21], $0x1000  }
0x64: {  	s23 =	simm.s32 $0xFFFFFFF8;
	[sflag:s21] =	ssyncset.done $0x0  }
0x65: {  	s24 =	simm.s32 $0x18740;
	s25 =	simm.s32 $0x1A740;
	[sflag:s21] =	ssyncadd.s32 $0xFFFFF000  }
.LBB2_7:
0x66: {  	v0 =	vld [tilespmem:s24+$0xFFFFFFC0];
	_ =	sdelay $0x7  }
0x67: {  	v0 =	vld.idx.msk [tilespmem:v0+s2+$0x0], $0xffff;
	_ =	sdelay $0x4  }
0x68: {  	[tilespmem:s25+$0xFFFFFFC0] =	vst v0  }
0x69: {  	v0 =	vld [tilespmem:s24+$0xFFFFFFD0];
	_ =	sdelay $0x7  }
0x6a: {  	v0 =	vld.idx.msk [tilespmem:v0+s2+$0x0], $0xffff;
	_ =	sdelay $0x4  }
0x6b: {  	[tilespmem:s25+$0xFFFFFFD0] =	vst v0  }
0x6c: {  	v0 =	vld [tilespmem:s24+$0xFFFFFFE0];
	_ =	sdelay $0x7  }
0x6d: {  	v0 =	vld.idx.msk [tilespmem:v0+s2+$0x0], $0xffff;
	_ =	sdelay $0x4  }
0x6e: {  	[tilespmem:s25+$0xFFFFFFE0] =	vst v0  }
0x6f: {  	v0 =	vld [tilespmem:s24+$0xFFFFFFF0];
	_ =	sdelay $0x7  }
0x70: {  	v0 =	vld.idx.msk [tilespmem:v0+s2+$0x0], $0xffff;
	_ =	sdelay $0x4  }
0x71: {  	[tilespmem:s25+$0xFFFFFFF0] =	vst v0  }
0x72: {  	v0 =	vld [tilespmem:s24+$0x0];
	_ =	sdelay $0x7  }
0x73: {  	v0 =	vld.idx.msk [tilespmem:v0+s2+$0x0], $0xffff;
	_ =	sdelay $0x4  }
0x74: {  	[tilespmem:s25+$0x0] =	vst v0  }
0x75: {  	v0 =	vld [tilespmem:s24+$0x10];
	_ =	sdelay $0x7  }
0x76: {  	v0 =	vld.idx.msk [tilespmem:v0+s2+$0x0], $0xffff;
	_ =	sdelay $0x4  }
0x77: {  	[tilespmem:s25+$0x10] =	vst v0  }
0x78: {  	v0 =	vld [tilespmem:s24+$0x20];
	_ =	sdelay $0x7  }
0x79: {  	v0 =	vld.idx.msk [tilespmem:v0+s2+$0x0], $0xffff;
	_ =	sdelay $0x4  }
0x7a: {  	[tilespmem:s25+$0x20] =	vst v0  }
0x7b: {  	v0 =	vld [tilespmem:s24+$0x30];
	_ =	sdelay $0x6  }
0x7c: {  	s23 =	sadd.s32 $0x8, s23  }
0x7d: {  	p0 =	slt.u32 s23, $0xF8;
	v0 =	vld.idx.msk [tilespmem:v0+s2+$0x0], $0xffff  }
.Ltmp3:
0x7e: {  	_ = 	snop;
	(pc) =	sbr.rel @p0 .LBB2_7-.Ltmp3, $2  }
0x7f: {  	_ =	sdelay $0x2  }
0x80: {  	s24 =	sadd.s32 $0x80, s24;
	[tilespmem:s25+$0x30] =	vst v0;
	s25 =	sadd.s32 $0x80, s25  }
0x81: {  	[hbm4b:s7+s13] =	stream.strided.scatter [tilespmem:s19], [sflag:$0x3], $0x1000, s14, s13, $0x38;
	[tilespmem:$0x1C700] =	vst v63  }
0x82: {  	_ =	swait.ge [sflag:s18], $0x1000  }
0x83: {  	[sflag:s18] =	ssyncset.done $0x0  }
0x84: {  	[sflag:s18] =	ssyncadd.s32 $0xFFFFF000  }
0x85: {  	_ =	swait.ge [sflag:s21], $0x1000  }
0x86: {  	s23 =	simm.s32 $0xFFFFFFF8;
	[sflag:s21] =	ssyncset.done $0x0  }
0x87: {  	s24 =	simm.s32 $0x19740;
	s25 =	simm.s32 $0x1B740;
	[sflag:s21] =	ssyncadd.s32 $0xFFFFF000  }
.LBB2_9:
0x88: {  	v0 =	vld [tilespmem:s24+$0xFFFFFFC0];
	_ =	sdelay $0x7  }
0x89: {  	v0 =	vld.idx.msk [tilespmem:v0+s2+$0x0], $0xffff;
	_ =	sdelay $0x4  }
0x8a: {  	[tilespmem:s25+$0xFFFFFFC0] =	vst v0  }
0x8b: {  	v0 =	vld [tilespmem:s24+$0xFFFFFFD0];
	_ =	sdelay $0x7  }
0x8c: {  	v0 =	vld.idx.msk [tilespmem:v0+s2+$0x0], $0xffff;
	_ =	sdelay $0x4  }
0x8d: {  	[tilespmem:s25+$0xFFFFFFD0] =	vst v0  }
0x8e: {  	v0 =	vld [tilespmem:s24+$0xFFFFFFE0];
	_ =	sdelay $0x7  }
0x8f: {  	v0 =	vld.idx.msk [tilespmem:v0+s2+$0x0], $0xffff;
	_ =	sdelay $0x4  }
0x90: {  	[tilespmem:s25+$0xFFFFFFE0] =	vst v0  }
0x91: {  	v0 =	vld [tilespmem:s24+$0xFFFFFFF0];
	_ =	sdelay $0x7  }
0x92: {  	v0 =	vld.idx.msk [tilespmem:v0+s2+$0x0], $0xffff;
	_ =	sdelay $0x4  }
0x93: {  	[tilespmem:s25+$0xFFFFFFF0] =	vst v0  }
0x94: {  	v0 =	vld [tilespmem:s24+$0x0];
	_ =	sdelay $0x7  }
0x95: {  	v0 =	vld.idx.msk [tilespmem:v0+s2+$0x0], $0xffff;
	_ =	sdelay $0x4  }
0x96: {  	[tilespmem:s25+$0x0] =	vst v0  }
0x97: {  	v0 =	vld [tilespmem:s24+$0x10];
	_ =	sdelay $0x7  }
0x98: {  	v0 =	vld.idx.msk [tilespmem:v0+s2+$0x0], $0xffff;
	_ =	sdelay $0x4  }
0x99: {  	[tilespmem:s25+$0x10] =	vst v0  }
0x9a: {  	v0 =	vld [tilespmem:s24+$0x20];
	_ =	sdelay $0x7  }
0x9b: {  	v0 =	vld.idx.msk [tilespmem:v0+s2+$0x0], $0xffff;
	_ =	sdelay $0x4  }
0x9c: {  	[tilespmem:s25+$0x20] =	vst v0  }
0x9d: {  	v0 =	vld [tilespmem:s24+$0x30];
	_ =	sdelay $0x6  }
0x9e: {  	s23 =	sadd.s32 $0x8, s23  }
0x9f: {  	p0 =	slt.u32 s23, $0xF8;
	v0 =	vld.idx.msk [tilespmem:v0+s2+$0x0], $0xffff  }
.Ltmp4:
0xa0: {  	_ = 	snop;
	(pc) =	sbr.rel @p0 .LBB2_9-.Ltmp4, $2  }
0xa1: {  	_ =	sdelay $0x2  }
0xa2: {  	s24 =	sadd.s32 $0x80, s24;
	[tilespmem:s25+$0x30] =	vst v0;
	s25 =	sadd.s32 $0x80, s25  }
0xa3: {  	[hbm4b:s8+s13] =	stream.strided.scatter [tilespmem:s20], [sflag:$0x3], $0x1000, s14, s13, $0x38;
	[tilespmem:$0x1C700] =	vst v63  }
0xa4: {  	s22 =	sadd.s32 $0x1, s22  }
0xa5: {  	_ =	swait.ge [sflag:s21], $0x1000;
	p0 =	sne.s32 s22, s12  }
.Ltmp5:
0xa6: {  	[sflag:s21] =	ssyncset.done $0x0;
	(pc) =	sbr.rel @p0 .LBB2_2-.Ltmp5, $4  }
0xa7: {  	[sflag:s21] =	ssyncadd.s32 $0xFFFFF000  }
0xa8: {  	_ =	swait.ge [sflag:s21], $0x1000  }
0xa9: {  	[sflag:s21] =	ssyncset.done $0x0  }
0xaa: {  	[sflag:s21] =	ssyncadd.s32 $0xFFFFF000  }
.LBB2_11:
0xab: {  	_ =	sfence.sel $0x180000  }
0xac: {  	[bflag:$0x0] =	sbarrier.arrive $0xFFFF  }
0xad: {  	p0 =	sne.s32 s1, $0x0;
	_ =	strace $0x90000047  }
0xae: {  	s0 =	sadd.s32 @!p0 $0x100000, s0;
	[bflag:$0x2] =	sbarrier.arrive $0xFFFF  }
0xaf: {  	[sflag:s0] =	ssyncadd.tile.s32 @!p0 $0x1;
	_ =	shalt  }
.Lfunc_end2:
_tile_overlayer_lowered:
.L_overlay_start_2:
0xb0: {  	(tag) =	ssettag $0x2  }
0xb1: {  	s0 =	rddreg [dreg:$0x0];
	s2 =	stileid.u32  }
0xb2: {  	s1 =	rddreg [dreg:$0x1];
	p0 =	sne.s32 s2, $0x0  }
0xb3: {  	s3 =	rddreg [dreg:$0x2];
	[bflag:$0x3] =	sbarrier.arrive $0xFFFF;
	s2 =	simm.s32 @!p0 $0x1C04  }
0xb4: {  	[timem:s3], [sflag:s2] =	dma.local @!p0 [hbm:s0], s1  }
0xb5: {  	s0 =	simm.s32 @!p0 $0x4  }
0xb6: {  	_ =	swait.ge @!p0 [sflag:s0], s1  }
0xb7: {  	s1 =	ssub.s32 @!p0 $0x0, s1;
	[sflag:s0] =	ssyncset.done @!p0 $0x0  }
0xb8: {  	[sflag:s0] =	ssyncadd.s32 @!p0 s1  }
0xb9: {  	[bflag:$0x3] =	sbarrier.arrive $0xFFFF  }
0xba: {  	_ =	shalt  }

</sc_bundles>
